<compile_context>
chip_gen: v7x
topology: tpu7x:2x2x1
jax: 0.10.2.dev20260603
libtpu: 0.0.44.dev20260713+nightly
codegen_flags: <defaults>
</compile_context>

<pallas_src>
import functools

import jax
import jax.numpy as jnp
from jax import lax
from jax.experimental import pallas as pl
from jax.experimental.pallas import tpu as pltpu
from jax.experimental.pallas import tpu_sc as plsc

_NEG = -1e30
_LOG1P = (
    3.910905549409094e-08, 0.9999936302585134, -0.4998254986434647,
    0.33144665224336606, -0.2394333707458602, 0.16499812983396112,
    -0.09229041738050231, 0.03426459995555095, -0.006006605050865348,
)
_LOG1P4 = (
    7.942077648770418e-05, 0.9959657831345109, -0.4650204374456057,
    0.2164487077843725, -0.054370933555584255,
)
_LOGV = (
    -1.5212730017175031, 2.2357796559923986, -0.9022461788064423,
    0.20824503946319362, -0.019632170636695513,
)


def _poly(coefs, x):
    acc = x * jnp.float32(coefs[-1]) + jnp.float32(coefs[-2])
    for c in coefs[-3::-1]:
        acc = acc * x + jnp.float32(c)
    return acc


def _lae(x, y):
    m = jnp.maximum(x, y)
    d = jnp.minimum(x, y) - m
    return m + _poly(_LOG1P, jnp.exp(d))


def kernel(log_probs, targets, input_lengths, target_lengths):
    T, B, C = log_probs.shape
    Lmax = targets.shape[0] // B
    lp_rows = log_probs.reshape(T * B, C)

    info = plsc.get_sparse_core_info()
    NC, L = info.num_cores, info.num_lanes
    RCH = 128
    NLB = Lmax // L
    NBL = (Lmax + L) // L

    mesh = plsc.VectorSubcoreMesh(core_axis_name="c", subcore_axis_name="s")

    @functools.partial(
        pl.kernel, mesh=mesh,
        out_type=jax.ShapeDtypeStruct((B, L), jnp.float32),
        compiler_params=pltpu.CompilerParams(needs_layout_passes=False),
        scratch_types=[
            pltpu.VMEM((T // RCH, RCH), jnp.int32),
            pltpu.VMEM((T, C), jnp.float32),
            pltpu.VMEM((B * Lmax,), jnp.int32),
            pltpu.VMEM((B,), jnp.int32),
            pltpu.VMEM((B,), jnp.int32),
            pltpu.VMEM(((NBL + 1) * L,), jnp.float32),
            pltpu.VMEM((NBL * L,), jnp.float32),
            pltpu.VMEM((NBL * L,), jnp.int32),
            pltpu.VMEM((L,), jnp.float32),
            pltpu.SemaphoreType.DMA,
        ],
    )
    def ctc_sc(lp_hbm, tgt_hbm, il_hbm, tl_hbm, out_hbm,
               rows_v, lp_v, tgt_v, tl_v, il_v, lbuf, bbuf, cbuf, out_v, sem):
        b = lax.axis_index("s") * NC + lax.axis_index("c")
        lane = lax.iota(jnp.int32, L)
        zerov = jnp.zeros((L,), jnp.int32)
        negv = jnp.full((L,), _NEG, jnp.float32)

        per_row = RCH // L
        for k in range(T // L):
            rows_v[k // per_row, pl.ds((k % per_row) * L, L)] = (lane + k * L) * B + b

        cps = [
            pltpu.async_copy(lp_hbm.at[rows_v.at[k]],
                             lp_v.at[pl.ds(k * RCH, RCH)], sem)
            for k in range(T // RCH)
        ]
        pltpu.sync_copy(tgt_hbm, tgt_v)
        pltpu.sync_copy(tl_hbm, tl_v)
        pltpu.sync_copy(il_hbm, il_v)

        bsplat = lax.broadcast(b, (L,))
        tl_b = plsc.load_gather(tl_v, [bsplat])
        il_b = plsc.load_gather(il_v, [bsplat])

        start = jnp.int32(0)
        for k in range(B // L):
            seg = tl_v[pl.ds(k * L, L)]
            start = start + jnp.sum(jnp.where(lane + k * L < b, seg, 0))

        cbuf[pl.ds(0, L)] = jnp.where(lane == 0, jnp.int32(-1), jnp.int32(0))
        for k in range(1, NBL):
            cbuf[pl.ds(k * L, L)] = zerov
        chb = []
        for k in range(NLB):
            j = lane + k * L
            gidx = jnp.clip(start + j, 0, B * Lmax - 1)
            ch = plsc.load_gather(tgt_v, [gidx])
            ch = jnp.where(j < tl_b, ch, 0)
            chb.append(ch)
            plsc.store_scatter(cbuf, [j + 1], ch)
        skipb = []
        for k in range(NLB):
            csh = cbuf[pl.ds(k * L, L)]
            skipb.append((chb[k] != 0) & (chb[k] != csh))

        for k in range(NBL + 1):
            lbuf[pl.ds(k * L, L)] = negv

        cps[0].wait()
        em_b0 = plsc.load_gather(lp_v, [zerov, zerov])
        em_c0 = plsc.load_gather(lp_v, [zerov, chb[0]])
        bl = [jnp.where(lane == 0, em_b0, negv)] + [negv] * (NBL - 1)
        lb = [jnp.where((lane == 0) & (tl_b > 0), em_c0, negv)] + [negv] * (NLB - 1)

        il_s = lax.reduce_max(il_b, axes=(0,))

        rotk = (lane + 1) & (L - 1)
        lane0 = lane == 0

        def step(t, carry):
            bl = carry[:NBL]
            lb = carry[NBL:]
            ts = lax.broadcast(t, (L,))
            em_b = plsc.load_gather(lp_v, [ts, zerov])
            rot = [plsc.sort_key_val(rotk, lb[k])[1] for k in range(NLB)]
            lsh = ([jnp.where(lane0, negv, rot[0])]
                   + [jnp.where(lane0, rot[k - 1], rot[k]) for k in range(1, NLB)]
                   + [jnp.where(lane0, rot[NLB - 1], negv)])
            nbl = []
            for k in range(NBL):
                m = jnp.maximum(bl[k], lsh[k])
                d = jnp.minimum(bl[k], lsh[k]) - m
                nbl.append(m + _poly(_LOG1P4, jnp.exp(d)) + em_b)
            nlb = []
            for k in range(NLB):
                em = plsc.load_gather(lp_v, [ts, chb[k]])
                s2 = jnp.where(skipb[k], lsh[k], negv)
                m = jnp.maximum(jnp.maximum(lb[k], bl[k]), s2)
                v = jnp.exp(lb[k] - m) + jnp.exp(bl[k] - m) + jnp.exp(s2 - m)
                nlb.append(m + _poly(_LOGV, v) + em)
            return (*nbl, *nlb)

        for cp in cps[1:]:
            cp.wait()

        def step2(i, carry):
            t = 1 + 2 * i
            return step(t + 1, step(t, carry))

        trips = (il_s - 1) // 2
        aa = lax.fori_loop(0, trips, step2, (*bl, *lb))
        t_last = 1 + 2 * trips
        aa2 = step(t_last, aa)
        rem = lax.broadcast(t_last < il_s, (L,))
        aa = tuple(jnp.where(rem, n, o) for n, o in zip(aa2, aa))

        for k in range(NBL):
            bbuf[pl.ds(k * L, L)] = aa[k]
        for k in range(NLB):
            lbuf[pl.ds(k * L + 1, L)] = aa[NBL + k]
        ra = plsc.load_gather(bbuf, [tl_b])
        rb = plsc.load_gather(lbuf, [jnp.maximum(tl_b - 1, jnp.int32(0)) + 1])

        total = jnp.where(tl_b > 0, _lae(ra, rb), ra)
        loss = -total
        bad = (loss != loss) | (jnp.abs(loss) == jnp.float32(jnp.inf))
        out_v[...] = jnp.where(bad, jnp.float32(0.0), loss)
        pltpu.sync_copy(out_v, out_hbm.at[b])

    losses = ctc_sc(lp_rows, targets, input_lengths, target_lengths)
    safe = jnp.maximum(target_lengths, 1).astype(jnp.float32)
    return jnp.mean(losses[:, 0] / safe)

# --- scband reference (transcript-rebuilt; emitter-appended) ---
"""Pipeline reference for scband-ctcloss-from-scratch-88983132439264 (READ-ONLY COPY).

The authoritative reference and input builder live on the scoring server;
editing this copy changes nothing except your own understanding.
"""

import jax, jax.numpy as jnp
import numpy as np

NEG = jnp.float32(-1e30)
BLANK = 0


def _build_extended(targets, target_lengths, blank):
    tl = target_lengths
    B = tl.shape[0]
    Lmax = targets.shape[0] // B
    S = 2 * Lmax + 1
    starts = jnp.concatenate([jnp.zeros((1,), dtype=tl.dtype), jnp.cumsum(tl)[:-1]])
    pos = jnp.arange(Lmax, dtype=tl.dtype)
    idx = jnp.clip(starts[:, None] + pos[None, :], 0, targets.shape[0] - 1)
    vals = targets[idx].astype(jnp.int32)
    mask = pos[None, :] < tl[:, None]
    chars = jnp.where(mask, vals, jnp.int32(blank))
    ext = jnp.full((B, S), blank, dtype=jnp.int32)
    ext = ext.at[:, 1:2 * Lmax + 1:2].set(chars)
    return ext


def _ctc_losses(log_probs, ext, input_lengths, target_lengths, blank):
    T, B, C = log_probs.shape
    S = ext.shape[1]
    alpha = jnp.full((B, S), NEG, dtype=jnp.float32)
    alpha = alpha.at[:, 0].set(log_probs[0, :, blank])
    has_char = target_lengths > 0
    first_char = jnp.take_along_axis(log_probs[0], ext[:, 1:2], axis=1)[:, 0]
    alpha = alpha.at[:, 1].set(jnp.where(has_char, first_char, alpha[:, 1]))
    ts2 = jnp.concatenate([jnp.full((B, 2), -1, dtype=ext.dtype), ext[:, :-2]], axis=1)
    skip = (ext != blank) & (ext != ts2)
    neg1 = jnp.full((B, 1), NEG, dtype=jnp.float32)
    neg2 = jnp.full((B, 2), NEG, dtype=jnp.float32)
    hist = [alpha]
    for t in range(1, T):
        prev = hist[-1]
        em = jnp.take_along_axis(log_probs[t], ext, axis=1)
        lp = jnp.logaddexp(prev, jnp.concatenate([neg1, prev[:, :-1]], axis=1))
        sk = jnp.concatenate([neg2, prev[:, :-2]], axis=1)
        lp = jnp.where(skip, jnp.logaddexp(lp, sk), lp)
        hist.append(lp + em)
    A = jnp.stack(hist, axis=0)
    tl = target_lengths
    final_alpha = A[input_lengths - 1, jnp.arange(B)]
    idx1 = (2 * tl)[:, None]
    idx2 = jnp.maximum(2 * tl - 1, 0)[:, None]
    a1 = jnp.take_along_axis(final_alpha, idx1, axis=1)[:, 0]
    a2 = jnp.take_along_axis(final_alpha, idx2, axis=1)[:, 0]
    total = jnp.where(tl > 0, jnp.logaddexp(a1, a2), a1)
    return -total


def setup_inputs(seed: int = 0):
    key = jax.random.key(seed)
    k1, k2, k3, k4 = jax.random.split(key, 4)
    T, B, C, Lmax = 512, 32, 128, 32
    log_probs = jax.nn.log_softmax(
        jax.random.normal(k1, (T, B, C), dtype=jnp.float32), axis=-1)
    target_lengths = jax.random.randint(k2, (B,), 16, Lmax + 1, dtype=jnp.int32)
    targets = jax.random.randint(k3, (B * Lmax,), 1, C, dtype=jnp.int32)
    input_lengths = jax.random.randint(k4, (B,), 400, T + 1, dtype=jnp.int32)
    return {
        "log_probs": log_probs,
        "targets": targets,
        "input_lengths": input_lengths,
        "target_lengths": target_lengths,
    }


def reference(log_probs, targets, input_lengths, target_lengths):
    ext = _build_extended(targets, target_lengths, BLANK)
    losses = _ctc_losses(log_probs, ext, input_lengths, target_lengths, BLANK)
    # zero_infinity=True
    losses = jnp.where(jnp.isinf(losses) | jnp.isnan(losses), 0.0, losses)
    # reduction='mean': per-sample loss divided by target length, then batch mean
    safe = jnp.maximum(target_lengths, 1).astype(jnp.float32)
    return jnp.mean(losses / safe)

if __name__ == "__main__":
    import jax
    _d = setup_inputs()
    print(jax.jit(kernel)(*tuple(_d.values())))

</pallas_src>

<mosaic_0001>
#map = affine_map<(d0, d1) -> (0, 0)>
#map1 = affine_map<(d0, d1) -> (0)>
module attributes {stable_mosaic.version = 14 : i64} {
  func.func @ctc_sc(%arg0: i32, %arg1: i32, %arg2: memref<16384x128xf32, #tpu.memory_space<hbm>>, %arg3: memref<1024xi32, #tpu.memory_space<hbm>>, %arg4: memref<32xi32, #tpu.memory_space<hbm>>, %arg5: memref<32xi32, #tpu.memory_space<hbm>>, %arg6: memref<32x16xf32, #tpu.memory_space<hbm>>, %arg7: memref<4x128xi32, #tpu.memory_space<vmem>>, %arg8: memref<512x128xf32, #tpu.memory_space<vmem>>, %arg9: memref<1024xi32, #tpu.memory_space<vmem>>, %arg10: memref<32xi32, #tpu.memory_space<vmem>>, %arg11: memref<32xi32, #tpu.memory_space<vmem>>, %arg12: memref<64xf32, #tpu.memory_space<vmem>>, %arg13: memref<48xf32, #tpu.memory_space<vmem>>, %arg14: memref<48xi32, #tpu.memory_space<vmem>>, %arg15: memref<16xf32, #tpu.memory_space<vmem>>, %arg16: memref<!tpu.dma_semaphore, #tpu.memory_space<semaphore_mem>>) attributes {dimension_semantics = [#tpu.dimension_semantics<core_parallel>, #tpu.dimension_semantics<subcore_parallel>], iteration_bounds = array<i64: 2, 16>, scalar_prefetch = 0 : i64, scratch_operands = 10 : i64, tpu.core_type = #tpu.core_type<sc_vector_subcore>, window_params = [{transform_indices = #map}, {transform_indices = #map1}, {transform_indices = #map1}, {transform_indices = #map1}, {transform_indices = #map}]} {
    %mul3A = arith.constant 2 : i32
    %mul3A_0 = arith.muli %arg1, %mul3A : i32
    %add3A = arith.addi %mul3A_0, %arg0 : i32
    %iota3A = tpu.iota {dimensions = array<i32: 0>} : vector<16xi32>
    %broadcast_in_dim3A = arith.constant 0 : i32
    %broadcast_in_dim3A_1 = vector.broadcast %broadcast_in_dim3A : i32 to vector<16xi32>
    %broadcast_in_dim3A_2 = arith.constant -1.000000e+30 : f32
    %broadcast_in_dim3A_3 = vector.broadcast %broadcast_in_dim3A_2 : f32 to vector<16xf32>
    %add3A_4 = arith.constant 0 : i32
    %add3A_5 = vector.broadcast %add3A_4 : i32 to vector<16xi32>
    %add3A_6 = arith.addi %iota3A, %add3A_5 : vector<16xi32>
    %mul3A_7 = arith.constant 32 : i32
    %mul3A_8 = vector.broadcast %mul3A_7 : i32 to vector<16xi32>
    %mul3A_9 = arith.muli %add3A_6, %mul3A_8 : vector<16xi32>
    %add3A_10 = vector.broadcast %add3A : i32 to vector<16xi32>
    %add3A_11 = arith.addi %mul3A_9, %add3A_10 : vector<16xi32>
    %swap3A = arith.constant 0 : i32
    %swap3A_12 = arith.index_cast %swap3A : i32 to index
    %swap3A_13 = arith.constant 0 : index
    %swap3A_14 = tpu.vector_load %arg7[%swap3A_12, %swap3A_13] {strides = array<i32>} : memref<4x128xi32, #tpu.memory_space<vmem>>, vector<16xi32>,
    tpu.vector_store %arg7[%swap3A_12, %swap3A_13], %add3A_11 {strides = array<i32>} : memref<4x128xi32, #tpu.memory_space<vmem>>, vector<16xi32>,
    %add3A_15 = arith.constant 16 : i32
    %add3A_16 = vector.broadcast %add3A_15 : i32 to vector<16xi32>
    %add3A_17 = arith.addi %iota3A, %add3A_16 : vector<16xi32>
    %mul3A_18 = arith.constant 32 : i32
    %mul3A_19 = vector.broadcast %mul3A_18 : i32 to vector<16xi32>
    %mul3A_20 = arith.muli %add3A_17, %mul3A_19 : vector<16xi32>
    %add3A_21 = vector.broadcast %add3A : i32 to vector<16xi32>
    %add3A_22 = arith.addi %mul3A_20, %add3A_21 : vector<16xi32>
    %swap3A_23 = arith.constant 0 : i32
    %swap3A_24 = arith.index_cast %swap3A_23 : i32 to index
    %swap3A_25 = arith.constant 16 : index
    %swap3A_26 = tpu.vector_load %arg7[%swap3A_24, %swap3A_25] {strides = array<i32>} : memref<4x128xi32, #tpu.memory_space<vmem>>, vector<16xi32>,
    tpu.vector_store %arg7[%swap3A_24, %swap3A_25], %add3A_22 {strides = array<i32>} : memref<4x128xi32, #tpu.memory_space<vmem>>, vector<16xi32>,
    %add3A_27 = arith.constant 32 : i32
    %add3A_28 = vector.broadcast %add3A_27 : i32 to vector<16xi32>
    %add3A_29 = arith.addi %iota3A, %add3A_28 : vector<16xi32>
    %mul3A_30 = arith.constant 32 : i32
    %mul3A_31 = vector.broadcast %mul3A_30 : i32 to vector<16xi32>
    %mul3A_32 = arith.muli %add3A_29, %mul3A_31 : vector<16xi32>
    %add3A_33 = vector.broadcast %add3A : i32 to vector<16xi32>
    %add3A_34 = arith.addi %mul3A_32, %add3A_33 : vector<16xi32>
    %swap3A_35 = arith.constant 0 : i32
    %swap3A_36 = arith.index_cast %swap3A_35 : i32 to index
    %swap3A_37 = arith.constant 32 : index
    %swap3A_38 = tpu.vector_load %arg7[%swap3A_36, %swap3A_37] {strides = array<i32>} : memref<4x128xi32, #tpu.memory_space<vmem>>, vector<16xi32>,
    tpu.vector_store %arg7[%swap3A_36, %swap3A_37], %add3A_34 {strides = array<i32>} : memref<4x128xi32, #tpu.memory_space<vmem>>, vector<16xi32>,
    %add3A_39 = arith.constant 48 : i32
    %add3A_40 = vector.broadcast %add3A_39 : i32 to vector<16xi32>
    %add3A_41 = arith.addi %iota3A, %add3A_40 : vector<16xi32>
    %mul3A_42 = arith.constant 32 : i32
    %mul3A_43 = vector.broadcast %mul3A_42 : i32 to vector<16xi32>
    %mul3A_44 = arith.muli %add3A_41, %mul3A_43 : vector<16xi32>
    %add3A_45 = vector.broadcast %add3A : i32 to vector<16xi32>
    %add3A_46 = arith.addi %mul3A_44, %add3A_45 : vector<16xi32>
    %swap3A_47 = arith.constant 0 : i32
    %swap3A_48 = arith.index_cast %swap3A_47 : i32 to index
    %swap3A_49 = arith.constant 48 : index
    %swap3A_50 = tpu.vector_load %arg7[%swap3A_48, %swap3A_49] {strides = array<i32>} : memref<4x128xi32, #tpu.memory_space<vmem>>, vector<16xi32>,
    tpu.vector_store %arg7[%swap3A_48, %swap3A_49], %add3A_46 {strides = array<i32>} : memref<4x128xi32, #tpu.memory_space<vmem>>, vector<16xi32>,
    %add3A_51 = arith.constant 64 : i32
    %add3A_52 = vector.broadcast %add3A_51 : i32 to vector<16xi32>
    %add3A_53 = arith.addi %iota3A, %add3A_52 : vector<16xi32>
    %mul3A_54 = arith.constant 32 : i32
    %mul3A_55 = vector.broadcast %mul3A_54 : i32 to vector<16xi32>
    %mul3A_56 = arith.muli %add3A_53, %mul3A_55 : vector<16xi32>
    %add3A_57 = vector.broadcast %add3A : i32 to vector<16xi32>
    %add3A_58 = arith.addi %mul3A_56, %add3A_57 : vector<16xi32>
    %swap3A_59 = arith.constant 0 : i32
    %swap3A_60 = arith.index_cast %swap3A_59 : i32 to index
    %swap3A_61 = arith.constant 64 : index
    %swap3A_62 = tpu.vector_load %arg7[%swap3A_60, %swap3A_61] {strides = array<i32>} : memref<4x128xi32, #tpu.memory_space<vmem>>, vector<16xi32>,
    tpu.vector_store %arg7[%swap3A_60, %swap3A_61], %add3A_58 {strides = array<i32>} : memref<4x128xi32, #tpu.memory_space<vmem>>, vector<16xi32>,
    %add3A_63 = arith.constant 80 : i32
    %add3A_64 = vector.broadcast %add3A_63 : i32 to vector<16xi32>
    %add3A_65 = arith.addi %iota3A, %add3A_64 : vector<16xi32>
    %mul3A_66 = arith.constant 32 : i32
    %mul3A_67 = vector.broadcast %mul3A_66 : i32 to vector<16xi32>
    %mul3A_68 = arith.muli %add3A_65, %mul3A_67 : vector<16xi32>
    %add3A_69 = vector.broadcast %add3A : i32 to vector<16xi32>
    %add3A_70 = arith.addi %mul3A_68, %add3A_69 : vector<16xi32>
    %swap3A_71 = arith.constant 0 : i32
    %swap3A_72 = arith.index_cast %swap3A_71 : i32 to index
    %swap3A_73 = arith.constant 80 : index
    %swap3A_74 = tpu.vector_load %arg7[%swap3A_72, %swap3A_73] {strides = array<i32>} : memref<4x128xi32, #tpu.memory_space<vmem>>, vector<16xi32>,
    tpu.vector_store %arg7[%swap3A_72, %swap3A_73], %add3A_70 {strides = array<i32>} : memref<4x128xi32, #tpu.memory_space<vmem>>, vector<16xi32>,
    %add3A_75 = arith.constant 96 : i32
    %add3A_76 = vector.broadcast %add3A_75 : i32 to vector<16xi32>
    %add3A_77 = arith.addi %iota3A, %add3A_76 : vector<16xi32>
    %mul3A_78 = arith.constant 32 : i32
    %mul3A_79 = vector.broadcast %mul3A_78 : i32 to vector<16xi32>
    %mul3A_80 = arith.muli %add3A_77, %mul3A_79 : vector<16xi32>
    %add3A_81 = vector.broadcast %add3A : i32 to vector<16xi32>
    %add3A_82 = arith.addi %mul3A_80, %add3A_81 : vector<16xi32>
    %swap3A_83 = arith.constant 0 : i32
    %swap3A_84 = arith.index_cast %swap3A_83 : i32 to index
    %swap3A_85 = arith.constant 96 : index
    %swap3A_86 = tpu.vector_load %arg7[%swap3A_84, %swap3A_85] {strides = array<i32>} : memref<4x128xi32, #tpu.memory_space<vmem>>, vector<16xi32>,
    tpu.vector_store %arg7[%swap3A_84, %swap3A_85], %add3A_82 {strides = array<i32>} : memref<4x128xi32, #tpu.memory_space<vmem>>, vector<16xi32>,
    %add3A_87 = arith.constant 112 : i32
    %add3A_88 = vector.broadcast %add3A_87 : i32 to vector<16xi32>
    %add3A_89 = arith.addi %iota3A, %add3A_88 : vector<16xi32>
    %mul3A_90 = arith.constant 32 : i32
    %mul3A_91 = vector.broadcast %mul3A_90 : i32 to vector<16xi32>
    %mul3A_92 = arith.muli %add3A_89, %mul3A_91 : vector<16xi32>
    %add3A_93 = vector.broadcast %add3A : i32 to vector<16xi32>
    %add3A_94 = arith.addi %mul3A_92, %add3A_93 : vector<16xi32>
    %swap3A_95 = arith.constant 0 : i32
    %swap3A_96 = arith.index_cast %swap3A_95 : i32 to index
    %swap3A_97 = arith.constant 112 : index
    %swap3A_98 = tpu.vector_load %arg7[%swap3A_96, %swap3A_97] {strides = array<i32>} : memref<4x128xi32, #tpu.memory_space<vmem>>, vector<16xi32>,
    tpu.vector_store %arg7[%swap3A_96, %swap3A_97], %add3A_94 {strides = array<i32>} : memref<4x128xi32, #tpu.memory_space<vmem>>, vector<16xi32>,
    %add3A_99 = arith.constant 128 : i32
    %add3A_100 = vector.broadcast %add3A_99 : i32 to vector<16xi32>
    %add3A_101 = arith.addi %iota3A, %add3A_100 : vector<16xi32>
    %mul3A_102 = arith.constant 32 : i32
    %mul3A_103 = vector.broadcast %mul3A_102 : i32 to vector<16xi32>
    %mul3A_104 = arith.muli %add3A_101, %mul3A_103 : vector<16xi32>
    %add3A_105 = vector.broadcast %add3A : i32 to vector<16xi32>
    %add3A_106 = arith.addi %mul3A_104, %add3A_105 : vector<16xi32>
    %swap3A_107 = arith.constant 1 : i32
    %swap3A_108 = arith.index_cast %swap3A_107 : i32 to index
    %swap3A_109 = arith.constant 0 : index
    %swap3A_110 = tpu.vector_load %arg7[%swap3A_108, %swap3A_109] {strides = array<i32>} : memref<4x128xi32, #tpu.memory_space<vmem>>, vector<16xi32>,
    tpu.vector_store %arg7[%swap3A_108, %swap3A_109], %add3A_106 {strides = array<i32>} : memref<4x128xi32, #tpu.memory_space<vmem>>, vector<16xi32>,
    %add3A_111 = arith.constant 144 : i32
    %add3A_112 = vector.broadcast %add3A_111 : i32 to vector<16xi32>
    %add3A_113 = arith.addi %iota3A, %add3A_112 : vector<16xi32>
    %mul3A_114 = arith.constant 32 : i32
    %mul3A_115 = vector.broadcast %mul3A_114 : i32 to vector<16xi32>
    %mul3A_116 = arith.muli %add3A_113, %mul3A_115 : vector<16xi32>
    %add3A_117 = vector.broadcast %add3A : i32 to vector<16xi32>
    %add3A_118 = arith.addi %mul3A_116, %add3A_117 : vector<16xi32>
    %swap3A_119 = arith.constant 1 : i32
    %swap3A_120 = arith.index_cast %swap3A_119 : i32 to index
    %swap3A_121 = arith.constant 16 : index
    %swap3A_122 = tpu.vector_load %arg7[%swap3A_120, %swap3A_121] {strides = array<i32>} : memref<4x128xi32, #tpu.memory_space<vmem>>, vector<16xi32>,
    tpu.vector_store %arg7[%swap3A_120, %swap3A_121], %add3A_118 {strides = array<i32>} : memref<4x128xi32, #tpu.memory_space<vmem>>, vector<16xi32>,
    %add3A_123 = arith.constant 160 : i32
    %add3A_124 = vector.broadcast %add3A_123 : i32 to vector<16xi32>
    %add3A_125 = arith.addi %iota3A, %add3A_124 : vector<16xi32>
    %mul3A_126 = arith.constant 32 : i32
    %mul3A_127 = vector.broadcast %mul3A_126 : i32 to vector<16xi32>
    %mul3A_128 = arith.muli %add3A_125, %mul3A_127 : vector<16xi32>
    %add3A_129 = vector.broadcast %add3A : i32 to vector<16xi32>
    %add3A_130 = arith.addi %mul3A_128, %add3A_129 : vector<16xi32>
    %swap3A_131 = arith.constant 1 : i32
    %swap3A_132 = arith.index_cast %swap3A_131 : i32 to index
    %swap3A_133 = arith.constant 32 : index
    %swap3A_134 = tpu.vector_load %arg7[%swap3A_132, %swap3A_133] {strides = array<i32>} : memref<4x128xi32, #tpu.memory_space<vmem>>, vector<16xi32>,
    tpu.vector_store %arg7[%swap3A_132, %swap3A_133], %add3A_130 {strides = array<i32>} : memref<4x128xi32, #tpu.memory_space<vmem>>, vector<16xi32>,
    %add3A_135 = arith.constant 176 : i32
    %add3A_136 = vector.broadcast %add3A_135 : i32 to vector<16xi32>
    %add3A_137 = arith.addi %iota3A, %add3A_136 : vector<16xi32>
    %mul3A_138 = arith.constant 32 : i32
    %mul3A_139 = vector.broadcast %mul3A_138 : i32 to vector<16xi32>
    %mul3A_140 = arith.muli %add3A_137, %mul3A_139 : vector<16xi32>
    %add3A_141 = vector.broadcast %add3A : i32 to vector<16xi32>
    %add3A_142 = arith.addi %mul3A_140, %add3A_141 : vector<16xi32>
    %swap3A_143 = arith.constant 1 : i32
    %swap3A_144 = arith.index_cast %swap3A_143 : i32 to index
    %swap3A_145 = arith.constant 48 : index
    %swap3A_146 = tpu.vector_load %arg7[%swap3A_144, %swap3A_145] {strides = array<i32>} : memref<4x128xi32, #tpu.memory_space<vmem>>, vector<16xi32>,
    tpu.vector_store %arg7[%swap3A_144, %swap3A_145], %add3A_142 {strides = array<i32>} : memref<4x128xi32, #tpu.memory_space<vmem>>, vector<16xi32>,
    %add3A_147 = arith.constant 192 : i32
    %add3A_148 = vector.broadcast %add3A_147 : i32 to vector<16xi32>
    %add3A_149 = arith.addi %iota3A, %add3A_148 : vector<16xi32>
    %mul3A_150 = arith.constant 32 : i32
    %mul3A_151 = vector.broadcast %mul3A_150 : i32 to vector<16xi32>
    %mul3A_152 = arith.muli %add3A_149, %mul3A_151 : vector<16xi32>
    %add3A_153 = vector.broadcast %add3A : i32 to vector<16xi32>
    %add3A_154 = arith.addi %mul3A_152, %add3A_153 : vector<16xi32>
    %swap3A_155 = arith.constant 1 : i32
    %swap3A_156 = arith.index_cast %swap3A_155 : i32 to index
    %swap3A_157 = arith.constant 64 : index
    %swap3A_158 = tpu.vector_load %arg7[%swap3A_156, %swap3A_157] {strides = array<i32>} : memref<4x128xi32, #tpu.memory_space<vmem>>, vector<16xi32>,
    tpu.vector_store %arg7[%swap3A_156, %swap3A_157], %add3A_154 {strides = array<i32>} : memref<4x128xi32, #tpu.memory_space<vmem>>, vector<16xi32>,
    %add3A_159 = arith.constant 208 : i32
    %add3A_160 = vector.broadcast %add3A_159 : i32 to vector<16xi32>
    %add3A_161 = arith.addi %iota3A, %add3A_160 : vector<16xi32>
    %mul3A_162 = arith.constant 32 : i32
    %mul3A_163 = vector.broadcast %mul3A_162 : i32 to vector<16xi32>
    %mul3A_164 = arith.muli %add3A_161, %mul3A_163 : vector<16xi32>
    %add3A_165 = vector.broadcast %add3A : i32 to vector<16xi32>
    %add3A_166 = arith.addi %mul3A_164, %add3A_165 : vector<16xi32>
    %swap3A_167 = arith.constant 1 : i32
    %swap3A_168 = arith.index_cast %swap3A_167 : i32 to index
    %swap3A_169 = arith.constant 80 : index
    %swap3A_170 = tpu.vector_load %arg7[%swap3A_168, %swap3A_169] {strides = array<i32>} : memref<4x128xi32, #tpu.memory_space<vmem>>, vector<16xi32>,
    tpu.vector_store %arg7[%swap3A_168, %swap3A_169], %add3A_166 {strides = array<i32>} : memref<4x128xi32, #tpu.memory_space<vmem>>, vector<16xi32>,
    %add3A_171 = arith.constant 224 : i32
    %add3A_172 = vector.broadcast %add3A_171 : i32 to vector<16xi32>
    %add3A_173 = arith.addi %iota3A, %add3A_172 : vector<16xi32>
    %mul3A_174 = arith.constant 32 : i32
    %mul3A_175 = vector.broadcast %mul3A_174 : i32 to vector<16xi32>
    %mul3A_176 = arith.muli %add3A_173, %mul3A_175 : vector<16xi32>
    %add3A_177 = vector.broadcast %add3A : i32 to vector<16xi32>
    %add3A_178 = arith.addi %mul3A_176, %add3A_177 : vector<16xi32>
    %swap3A_179 = arith.constant 1 : i32
    %swap3A_180 = arith.index_cast %swap3A_179 : i32 to index
    %swap3A_181 = arith.constant 96 : index
    %swap3A_182 = tpu.vector_load %arg7[%swap3A_180, %swap3A_181] {strides = array<i32>} : memref<4x128xi32, #tpu.memory_space<vmem>>, vector<16xi32>,
    tpu.vector_store %arg7[%swap3A_180, %swap3A_181], %add3A_178 {strides = array<i32>} : memref<4x128xi32, #tpu.memory_space<vmem>>, vector<16xi32>,
    %add3A_183 = arith.constant 240 : i32
    %add3A_184 = vector.broadcast %add3A_183 : i32 to vector<16xi32>
    %add3A_185 = arith.addi %iota3A, %add3A_184 : vector<16xi32>
    %mul3A_186 = arith.constant 32 : i32
    %mul3A_187 = vector.broadcast %mul3A_186 : i32 to vector<16xi32>
    %mul3A_188 = arith.muli %add3A_185, %mul3A_187 : vector<16xi32>
    %add3A_189 = vector.broadcast %add3A : i32 to vector<16xi32>
    %add3A_190 = arith.addi %mul3A_188, %add3A_189 : vector<16xi32>
    %swap3A_191 = arith.constant 1 : i32
    %swap3A_192 = arith.index_cast %swap3A_191 : i32 to index
    %swap3A_193 = arith.constant 112 : index
    %swap3A_194 = tpu.vector_load %arg7[%swap3A_192, %swap3A_193] {strides = array<i32>} : memref<4x128xi32, #tpu.memory_space<vmem>>, vector<16xi32>,
    tpu.vector_store %arg7[%swap3A_192, %swap3A_193], %add3A_190 {strides = array<i32>} : memref<4x128xi32, #tpu.memory_space<vmem>>, vector<16xi32>,
    %add3A_195 = arith.constant 256 : i32
    %add3A_196 = vector.broadcast %add3A_195 : i32 to vector<16xi32>
    %add3A_197 = arith.addi %iota3A, %add3A_196 : vector<16xi32>
    %mul3A_198 = arith.constant 32 : i32
    %mul3A_199 = vector.broadcast %mul3A_198 : i32 to vector<16xi32>
    %mul3A_200 = arith.muli %add3A_197, %mul3A_199 : vector<16xi32>
    %add3A_201 = vector.broadcast %add3A : i32 to vector<16xi32>
    %add3A_202 = arith.addi %mul3A_200, %add3A_201 : vector<16xi32>
    %swap3A_203 = arith.constant 2 : i32
    %swap3A_204 = arith.index_cast %swap3A_203 : i32 to index
    %swap3A_205 = arith.constant 0 : index
    %swap3A_206 = tpu.vector_load %arg7[%swap3A_204, %swap3A_205] {strides = array<i32>} : memref<4x128xi32, #tpu.memory_space<vmem>>, vector<16xi32>,
    tpu.vector_store %arg7[%swap3A_204, %swap3A_205], %add3A_202 {strides = array<i32>} : memref<4x128xi32, #tpu.memory_space<vmem>>, vector<16xi32>,
    %add3A_207 = arith.constant 272 : i32
    %add3A_208 = vector.broadcast %add3A_207 : i32 to vector<16xi32>
    %add3A_209 = arith.addi %iota3A, %add3A_208 : vector<16xi32>
    %mul3A_210 = arith.constant 32 : i32
    %mul3A_211 = vector.broadcast %mul3A_210 : i32 to vector<16xi32>
    %mul3A_212 = arith.muli %add3A_209, %mul3A_211 : vector<16xi32>
    %add3A_213 = vector.broadcast %add3A : i32 to vector<16xi32>
    %add3A_214 = arith.addi %mul3A_212, %add3A_213 : vector<16xi32>
    %swap3A_215 = arith.constant 2 : i32
    %swap3A_216 = arith.index_cast %swap3A_215 : i32 to index
    %swap3A_217 = arith.constant 16 : index
    %swap3A_218 = tpu.vector_load %arg7[%swap3A_216, %swap3A_217] {strides = array<i32>} : memref<4x128xi32, #tpu.memory_space<vmem>>, vector<16xi32>,
    tpu.vector_store %arg7[%swap3A_216, %swap3A_217], %add3A_214 {strides = array<i32>} : memref<4x128xi32, #tpu.memory_space<vmem>>, vector<16xi32>,
    %add3A_219 = arith.constant 288 : i32
    %add3A_220 = vector.broadcast %add3A_219 : i32 to vector<16xi32>
    %add3A_221 = arith.addi %iota3A, %add3A_220 : vector<16xi32>
    %mul3A_222 = arith.constant 32 : i32
    %mul3A_223 = vector.broadcast %mul3A_222 : i32 to vector<16xi32>
    %mul3A_224 = arith.muli %add3A_221, %mul3A_223 : vector<16xi32>
    %add3A_225 = vector.broadcast %add3A : i32 to vector<16xi32>
    %add3A_226 = arith.addi %mul3A_224, %add3A_225 : vector<16xi32>
    %swap3A_227 = arith.constant 2 : i32
    %swap3A_228 = arith.index_cast %swap3A_227 : i32 to index
    %swap3A_229 = arith.constant 32 : index
    %swap3A_230 = tpu.vector_load %arg7[%swap3A_228, %swap3A_229] {strides = array<i32>} : memref<4x128xi32, #tpu.memory_space<vmem>>, vector<16xi32>,
    tpu.vector_store %arg7[%swap3A_228, %swap3A_229], %add3A_226 {strides = array<i32>} : memref<4x128xi32, #tpu.memory_space<vmem>>, vector<16xi32>,
    %add3A_231 = arith.constant 304 : i32
    %add3A_232 = vector.broadcast %add3A_231 : i32 to vector<16xi32>
    %add3A_233 = arith.addi %iota3A, %add3A_232 : vector<16xi32>
    %mul3A_234 = arith.constant 32 : i32
    %mul3A_235 = vector.broadcast %mul3A_234 : i32 to vector<16xi32>
    %mul3A_236 = arith.muli %add3A_233, %mul3A_235 : vector<16xi32>
    %add3A_237 = vector.broadcast %add3A : i32 to vector<16xi32>
    %add3A_238 = arith.addi %mul3A_236, %add3A_237 : vector<16xi32>
    %swap3A_239 = arith.constant 2 : i32
    %swap3A_240 = arith.index_cast %swap3A_239 : i32 to index
    %swap3A_241 = arith.constant 48 : index
    %swap3A_242 = tpu.vector_load %arg7[%swap3A_240, %swap3A_241] {strides = array<i32>} : memref<4x128xi32, #tpu.memory_space<vmem>>, vector<16xi32>,
    tpu.vector_store %arg7[%swap3A_240, %swap3A_241], %add3A_238 {strides = array<i32>} : memref<4x128xi32, #tpu.memory_space<vmem>>, vector<16xi32>,
    %add3A_243 = arith.constant 320 : i32
    %add3A_244 = vector.broadcast %add3A_243 : i32 to vector<16xi32>
    %add3A_245 = arith.addi %iota3A, %add3A_244 : vector<16xi32>
    %mul3A_246 = arith.constant 32 : i32
    %mul3A_247 = vector.broadcast %mul3A_246 : i32 to vector<16xi32>
    %mul3A_248 = arith.muli %add3A_245, %mul3A_247 : vector<16xi32>
    %add3A_249 = vector.broadcast %add3A : i32 to vector<16xi32>
    %add3A_250 = arith.addi %mul3A_248, %add3A_249 : vector<16xi32>
    %swap3A_251 = arith.constant 2 : i32
    %swap3A_252 = arith.index_cast %swap3A_251 : i32 to index
    %swap3A_253 = arith.constant 64 : index
    %swap3A_254 = tpu.vector_load %arg7[%swap3A_252, %swap3A_253] {strides = array<i32>} : memref<4x128xi32, #tpu.memory_space<vmem>>, vector<16xi32>,
    tpu.vector_store %arg7[%swap3A_252, %swap3A_253], %add3A_250 {strides = array<i32>} : memref<4x128xi32, #tpu.memory_space<vmem>>, vector<16xi32>,
    %add3A_255 = arith.constant 336 : i32
    %add3A_256 = vector.broadcast %add3A_255 : i32 to vector<16xi32>
    %add3A_257 = arith.addi %iota3A, %add3A_256 : vector<16xi32>
    %mul3A_258 = arith.constant 32 : i32
    %mul3A_259 = vector.broadcast %mul3A_258 : i32 to vector<16xi32>
    %mul3A_260 = arith.muli %add3A_257, %mul3A_259 : vector<16xi32>
    %add3A_261 = vector.broadcast %add3A : i32 to vector<16xi32>
    %add3A_262 = arith.addi %mul3A_260, %add3A_261 : vector<16xi32>
    %swap3A_263 = arith.constant 2 : i32
    %swap3A_264 = arith.index_cast %swap3A_263 : i32 to index
    %swap3A_265 = arith.constant 80 : index
    %swap3A_266 = tpu.vector_load %arg7[%swap3A_264, %swap3A_265] {strides = array<i32>} : memref<4x128xi32, #tpu.memory_space<vmem>>, vector<16xi32>,
    tpu.vector_store %arg7[%swap3A_264, %swap3A_265], %add3A_262 {strides = array<i32>} : memref<4x128xi32, #tpu.memory_space<vmem>>, vector<16xi32>,
    %add3A_267 = arith.constant 352 : i32
    %add3A_268 = vector.broadcast %add3A_267 : i32 to vector<16xi32>
    %add3A_269 = arith.addi %iota3A, %add3A_268 : vector<16xi32>
    %mul3A_270 = arith.constant 32 : i32
    %mul3A_271 = vector.broadcast %mul3A_270 : i32 to vector<16xi32>
    %mul3A_272 = arith.muli %add3A_269, %mul3A_271 : vector<16xi32>
    %add3A_273 = vector.broadcast %add3A : i32 to vector<16xi32>
    %add3A_274 = arith.addi %mul3A_272, %add3A_273 : vector<16xi32>
    %swap3A_275 = arith.constant 2 : i32
    %swap3A_276 = arith.index_cast %swap3A_275 : i32 to index
    %swap3A_277 = arith.constant 96 : index
    %swap3A_278 = tpu.vector_load %arg7[%swap3A_276, %swap3A_277] {strides = array<i32>} : memref<4x128xi32, #tpu.memory_space<vmem>>, vector<16xi32>,
    tpu.vector_store %arg7[%swap3A_276, %swap3A_277], %add3A_274 {strides = array<i32>} : memref<4x128xi32, #tpu.memory_space<vmem>>, vector<16xi32>,
    %add3A_279 = arith.constant 368 : i32
    %add3A_280 = vector.broadcast %add3A_279 : i32 to vector<16xi32>
    %add3A_281 = arith.addi %iota3A, %add3A_280 : vector<16xi32>
    %mul3A_282 = arith.constant 32 : i32
    %mul3A_283 = vector.broadcast %mul3A_282 : i32 to vector<16xi32>
    %mul3A_284 = arith.muli %add3A_281, %mul3A_283 : vector<16xi32>
    %add3A_285 = vector.broadcast %add3A : i32 to vector<16xi32>
    %add3A_286 = arith.addi %mul3A_284, %add3A_285 : vector<16xi32>
    %swap3A_287 = arith.constant 2 : i32
    %swap3A_288 = arith.index_cast %swap3A_287 : i32 to index
    %swap3A_289 = arith.constant 112 : index
    %swap3A_290 = tpu.vector_load %arg7[%swap3A_288, %swap3A_289] {strides = array<i32>} : memref<4x128xi32, #tpu.memory_space<vmem>>, vector<16xi32>,
    tpu.vector_store %arg7[%swap3A_288, %swap3A_289], %add3A_286 {strides = array<i32>} : memref<4x128xi32, #tpu.memory_space<vmem>>, vector<16xi32>,
    %add3A_291 = arith.constant 384 : i32
    %add3A_292 = vector.broadcast %add3A_291 : i32 to vector<16xi32>
    %add3A_293 = arith.addi %iota3A, %add3A_292 : vector<16xi32>
    %mul3A_294 = arith.constant 32 : i32
    %mul3A_295 = vector.broadcast %mul3A_294 : i32 to vector<16xi32>
    %mul3A_296 = arith.muli %add3A_293, %mul3A_295 : vector<16xi32>
    %add3A_297 = vector.broadcast %add3A : i32 to vector<16xi32>
    %add3A_298 = arith.addi %mul3A_296, %add3A_297 : vector<16xi32>
    %swap3A_299 = arith.constant 3 : i32
    %swap3A_300 = arith.index_cast %swap3A_299 : i32 to index
    %swap3A_301 = arith.constant 0 : index
    %swap3A_302 = tpu.vector_load %arg7[%swap3A_300, %swap3A_301] {strides = array<i32>} : memref<4x128xi32, #tpu.memory_space<vmem>>, vector<16xi32>,
    tpu.vector_store %arg7[%swap3A_300, %swap3A_301], %add3A_298 {strides = array<i32>} : memref<4x128xi32, #tpu.memory_space<vmem>>, vector<16xi32>,
    %add3A_303 = arith.constant 400 : i32
    %add3A_304 = vector.broadcast %add3A_303 : i32 to vector<16xi32>
    %add3A_305 = arith.addi %iota3A, %add3A_304 : vector<16xi32>
    %mul3A_306 = arith.constant 32 : i32
    %mul3A_307 = vector.broadcast %mul3A_306 : i32 to vector<16xi32>
    %mul3A_308 = arith.muli %add3A_305, %mul3A_307 : vector<16xi32>
    %add3A_309 = vector.broadcast %add3A : i32 to vector<16xi32>
    %add3A_310 = arith.addi %mul3A_308, %add3A_309 : vector<16xi32>
    %swap3A_311 = arith.constant 3 : i32
    %swap3A_312 = arith.index_cast %swap3A_311 : i32 to index
    %swap3A_313 = arith.constant 16 : index
    %swap3A_314 = tpu.vector_load %arg7[%swap3A_312, %swap3A_313] {strides = array<i32>} : memref<4x128xi32, #tpu.memory_space<vmem>>, vector<16xi32>,
    tpu.vector_store %arg7[%swap3A_312, %swap3A_313], %add3A_310 {strides = array<i32>} : memref<4x128xi32, #tpu.memory_space<vmem>>, vector<16xi32>,
    %add3A_315 = arith.constant 416 : i32
    %add3A_316 = vector.broadcast %add3A_315 : i32 to vector<16xi32>
    %add3A_317 = arith.addi %iota3A, %add3A_316 : vector<16xi32>
    %mul3A_318 = arith.constant 32 : i32
    %mul3A_319 = vector.broadcast %mul3A_318 : i32 to vector<16xi32>
    %mul3A_320 = arith.muli %add3A_317, %mul3A_319 : vector<16xi32>
    %add3A_321 = vector.broadcast %add3A : i32 to vector<16xi32>
    %add3A_322 = arith.addi %mul3A_320, %add3A_321 : vector<16xi32>
    %swap3A_323 = arith.constant 3 : i32
    %swap3A_324 = arith.index_cast %swap3A_323 : i32 to index
    %swap3A_325 = arith.constant 32 : index
    %swap3A_326 = tpu.vector_load %arg7[%swap3A_324, %swap3A_325] {strides = array<i32>} : memref<4x128xi32, #tpu.memory_space<vmem>>, vector<16xi32>,
    tpu.vector_store %arg7[%swap3A_324, %swap3A_325], %add3A_322 {strides = array<i32>} : memref<4x128xi32, #tpu.memory_space<vmem>>, vector<16xi32>,
    %add3A_327 = arith.constant 432 : i32
    %add3A_328 = vector.broadcast %add3A_327 : i32 to vector<16xi32>
    %add3A_329 = arith.addi %iota3A, %add3A_328 : vector<16xi32>
    %mul3A_330 = arith.constant 32 : i32
    %mul3A_331 = vector.broadcast %mul3A_330 : i32 to vector<16xi32>
    %mul3A_332 = arith.muli %add3A_329, %mul3A_331 : vector<16xi32>
    %add3A_333 = vector.broadcast %add3A : i32 to vector<16xi32>
    %add3A_334 = arith.addi %mul3A_332, %add3A_333 : vector<16xi32>
    %swap3A_335 = arith.constant 3 : i32
    %swap3A_336 = arith.index_cast %swap3A_335 : i32 to index
    %swap3A_337 = arith.constant 48 : index
    %swap3A_338 = tpu.vector_load %arg7[%swap3A_336, %swap3A_337] {strides = array<i32>} : memref<4x128xi32, #tpu.memory_space<vmem>>, vector<16xi32>,
    tpu.vector_store %arg7[%swap3A_336, %swap3A_337], %add3A_334 {strides = array<i32>} : memref<4x128xi32, #tpu.memory_space<vmem>>, vector<16xi32>,
    %add3A_339 = arith.constant 448 : i32
    %add3A_340 = vector.broadcast %add3A_339 : i32 to vector<16xi32>
    %add3A_341 = arith.addi %iota3A, %add3A_340 : vector<16xi32>
    %mul3A_342 = arith.constant 32 : i32
    %mul3A_343 = vector.broadcast %mul3A_342 : i32 to vector<16xi32>
    %mul3A_344 = arith.muli %add3A_341, %mul3A_343 : vector<16xi32>
    %add3A_345 = vector.broadcast %add3A : i32 to vector<16xi32>
    %add3A_346 = arith.addi %mul3A_344, %add3A_345 : vector<16xi32>
    %swap3A_347 = arith.constant 3 : i32
    %swap3A_348 = arith.index_cast %swap3A_347 : i32 to index
    %swap3A_349 = arith.constant 64 : index
    %swap3A_350 = tpu.vector_load %arg7[%swap3A_348, %swap3A_349] {strides = array<i32>} : memref<4x128xi32, #tpu.memory_space<vmem>>, vector<16xi32>,
    tpu.vector_store %arg7[%swap3A_348, %swap3A_349], %add3A_346 {strides = array<i32>} : memref<4x128xi32, #tpu.memory_space<vmem>>, vector<16xi32>,
    %add3A_351 = arith.constant 464 : i32
    %add3A_352 = vector.broadcast %add3A_351 : i32 to vector<16xi32>
    %add3A_353 = arith.addi %iota3A, %add3A_352 : vector<16xi32>
    %mul3A_354 = arith.constant 32 : i32
    %mul3A_355 = vector.broadcast %mul3A_354 : i32 to vector<16xi32>
    %mul3A_356 = arith.muli %add3A_353, %mul3A_355 : vector<16xi32>
    %add3A_357 = vector.broadcast %add3A : i32 to vector<16xi32>
    %add3A_358 = arith.addi %mul3A_356, %add3A_357 : vector<16xi32>
    %swap3A_359 = arith.constant 3 : i32
    %swap3A_360 = arith.index_cast %swap3A_359 : i32 to index
    %swap3A_361 = arith.constant 80 : index
    %swap3A_362 = tpu.vector_load %arg7[%swap3A_360, %swap3A_361] {strides = array<i32>} : memref<4x128xi32, #tpu.memory_space<vmem>>, vector<16xi32>,
    tpu.vector_store %arg7[%swap3A_360, %swap3A_361], %add3A_358 {strides = array<i32>} : memref<4x128xi32, #tpu.memory_space<vmem>>, vector<16xi32>,
    %add3A_363 = arith.constant 480 : i32
    %add3A_364 = vector.broadcast %add3A_363 : i32 to vector<16xi32>
    %add3A_365 = arith.addi %iota3A, %add3A_364 : vector<16xi32>
    %mul3A_366 = arith.constant 32 : i32
    %mul3A_367 = vector.broadcast %mul3A_366 : i32 to vector<16xi32>
    %mul3A_368 = arith.muli %add3A_365, %mul3A_367 : vector<16xi32>
    %add3A_369 = vector.broadcast %add3A : i32 to vector<16xi32>
    %add3A_370 = arith.addi %mul3A_368, %add3A_369 : vector<16xi32>
    %swap3A_371 = arith.constant 3 : i32
    %swap3A_372 = arith.index_cast %swap3A_371 : i32 to index
    %swap3A_373 = arith.constant 96 : index
    %swap3A_374 = tpu.vector_load %arg7[%swap3A_372, %swap3A_373] {strides = array<i32>} : memref<4x128xi32, #tpu.memory_space<vmem>>, vector<16xi32>,
    tpu.vector_store %arg7[%swap3A_372, %swap3A_373], %add3A_370 {strides = array<i32>} : memref<4x128xi32, #tpu.memory_space<vmem>>, vector<16xi32>,
    %add3A_375 = arith.constant 496 : i32
    %add3A_376 = vector.broadcast %add3A_375 : i32 to vector<16xi32>
    %add3A_377 = arith.addi %iota3A, %add3A_376 : vector<16xi32>
    %mul3A_378 = arith.constant 32 : i32
    %mul3A_379 = vector.broadcast %mul3A_378 : i32 to vector<16xi32>
    %mul3A_380 = arith.muli %add3A_377, %mul3A_379 : vector<16xi32>
    %add3A_381 = vector.broadcast %add3A : i32 to vector<16xi32>
    %add3A_382 = arith.addi %mul3A_380, %add3A_381 : vector<16xi32>
    %swap3A_383 = arith.constant 3 : i32
    %swap3A_384 = arith.index_cast %swap3A_383 : i32 to index
    %swap3A_385 = arith.constant 112 : index
    %swap3A_386 = tpu.vector_load %arg7[%swap3A_384, %swap3A_385] {strides = array<i32>} : memref<4x128xi32, #tpu.memory_space<vmem>>, vector<16xi32>,
    tpu.vector_store %arg7[%swap3A_384, %swap3A_385], %add3A_382 {strides = array<i32>} : memref<4x128xi32, #tpu.memory_space<vmem>>, vector<16xi32>,
    %dma_start3A = arith.constant 0 : i32
    %dma_start3A_387 = arith.constant 0 : i32
    %dma_start3A_388 = arith.constant 0 : i32
    %dma_start3A_389 = tpu.memref_slice %arg8[%dma_start3A_387, %dma_start3A_388] : memref<512x128xf32, #tpu.memory_space<vmem>> -> memref<128x128xf32, #tpu.memory_space<vmem>>
    %dma_start3A_390 = arith.constant 0 : i32
    %dma_start3A_391 = tpu.memref_slice %arg7[%dma_start3A, %dma_start3A_390] : memref<4x128xi32, #tpu.memory_space<vmem>> -> memref<1x128xi32, #tpu.memory_space<vmem>>
    %dma_start3A_392 = tpu.memref_squeeze %dma_start3A_391 : memref<1x128xi32, #tpu.memory_space<vmem>> -> memref<128xi32, #tpu.memory_space<vmem>>
    %dma_start3A_393 = arith.constant 0 : i32
    %dma_start3A_394 = arith.constant 0 : i32
    %dma_start3A_395 = tpu.memref_slice %arg2[%dma_start3A_393, %dma_start3A_394] : memref<16384x128xf32, #tpu.memory_space<hbm>> -> memref<16384x128xf32, #tpu.memory_space<hbm>>
    tpu.enqueue_indirect_dma source(%dma_start3A_395 : memref<16384x128xf32, #tpu.memory_space<hbm>>) target(%dma_start3A_389 : memref<128x128xf32, #tpu.memory_space<vmem>>) offsets(%dma_start3A_392 : memref<128xi32, #tpu.memory_space<vmem>>) semaphore(%arg16 : memref<!tpu.dma_semaphore, #tpu.memory_space<semaphore_mem>>)
    %dma_start3A_396 = arith.constant 1 : i32
    %dma_start3A_397 = arith.constant 128 : i32
    %dma_start3A_398 = arith.constant 0 : i32
    %dma_start3A_399 = tpu.memref_slice %arg8[%dma_start3A_397, %dma_start3A_398] : memref<512x128xf32, #tpu.memory_space<vmem>> -> memref<128x128xf32, #tpu.memory_space<vmem>>
    %dma_start3A_400 = arith.constant 0 : i32
    %dma_start3A_401 = tpu.memref_slice %arg7[%dma_start3A_396, %dma_start3A_400] : memref<4x128xi32, #tpu.memory_space<vmem>> -> memref<1x128xi32, #tpu.memory_space<vmem>>
    %dma_start3A_402 = tpu.memref_squeeze %dma_start3A_401 : memref<1x128xi32, #tpu.memory_space<vmem>> -> memref<128xi32, #tpu.memory_space<vmem>>
    %dma_start3A_403 = arith.constant 0 : i32
    %dma_start3A_404 = arith.constant 0 : i32
    %dma_start3A_405 = tpu.memref_slice %arg2[%dma_start3A_403, %dma_start3A_404] : memref<16384x128xf32, #tpu.memory_space<hbm>> -> memref<16384x128xf32, #tpu.memory_space<hbm>>
    tpu.enqueue_indirect_dma source(%dma_start3A_405 : memref<16384x128xf32, #tpu.memory_space<hbm>>) target(%dma_start3A_399 : memref<128x128xf32, #tpu.memory_space<vmem>>) offsets(%dma_start3A_402 : memref<128xi32, #tpu.memory_space<vmem>>) semaphore(%arg16 : memref<!tpu.dma_semaphore, #tpu.memory_space<semaphore_mem>>)
    %dma_start3A_406 = arith.constant 2 : i32
    %dma_start3A_407 = arith.constant 256 : i32
    %dma_start3A_408 = arith.constant 0 : i32
    %dma_start3A_409 = tpu.memref_slice %arg8[%dma_start3A_407, %dma_start3A_408] : memref<512x128xf32, #tpu.memory_space<vmem>> -> memref<128x128xf32, #tpu.memory_space<vmem>>
    %dma_start3A_410 = arith.constant 0 : i32
    %dma_start3A_411 = tpu.memref_slice %arg7[%dma_start3A_406, %dma_start3A_410] : memref<4x128xi32, #tpu.memory_space<vmem>> -> memref<1x128xi32, #tpu.memory_space<vmem>>
    %dma_start3A_412 = tpu.memref_squeeze %dma_start3A_411 : memref<1x128xi32, #tpu.memory_space<vmem>> -> memref<128xi32, #tpu.memory_space<vmem>>
    %dma_start3A_413 = arith.constant 0 : i32
    %dma_start3A_414 = arith.constant 0 : i32
    %dma_start3A_415 = tpu.memref_slice %arg2[%dma_start3A_413, %dma_start3A_414] : memref<16384x128xf32, #tpu.memory_space<hbm>> -> memref<16384x128xf32, #tpu.memory_space<hbm>>
    tpu.enqueue_indirect_dma source(%dma_start3A_415 : memref<16384x128xf32, #tpu.memory_space<hbm>>) target(%dma_start3A_409 : memref<128x128xf32, #tpu.memory_space<vmem>>) offsets(%dma_start3A_412 : memref<128xi32, #tpu.memory_space<vmem>>) semaphore(%arg16 : memref<!tpu.dma_semaphore, #tpu.memory_space<semaphore_mem>>)
    %dma_start3A_416 = arith.constant 3 : i32
    %dma_start3A_417 = arith.constant 384 : i32
    %dma_start3A_418 = arith.constant 0 : i32
    %dma_start3A_419 = tpu.memref_slice %arg8[%dma_start3A_417, %dma_start3A_418] : memref<512x128xf32, #tpu.memory_space<vmem>> -> memref<128x128xf32, #tpu.memory_space<vmem>>
    %dma_start3A_420 = arith.constant 0 : i32
    %dma_start3A_421 = tpu.memref_slice %arg7[%dma_start3A_416, %dma_start3A_420] : memref<4x128xi32, #tpu.memory_space<vmem>> -> memref<1x128xi32, #tpu.memory_space<vmem>>
    %dma_start3A_422 = tpu.memref_squeeze %dma_start3A_421 : memref<1x128xi32, #tpu.memory_space<vmem>> -> memref<128xi32, #tpu.memory_space<vmem>>
    %dma_start3A_423 = arith.constant 0 : i32
    %dma_start3A_424 = arith.constant 0 : i32
    %dma_start3A_425 = tpu.memref_slice %arg2[%dma_start3A_423, %dma_start3A_424] : memref<16384x128xf32, #tpu.memory_space<hbm>> -> memref<16384x128xf32, #tpu.memory_space<hbm>>
    tpu.enqueue_indirect_dma source(%dma_start3A_425 : memref<16384x128xf32, #tpu.memory_space<hbm>>) target(%dma_start3A_419 : memref<128x128xf32, #tpu.memory_space<vmem>>) offsets(%dma_start3A_422 : memref<128xi32, #tpu.memory_space<vmem>>) semaphore(%arg16 : memref<!tpu.dma_semaphore, #tpu.memory_space<semaphore_mem>>)
    "tpu.region"() ({
      %run_scoped3A = tpu.sem_alloc : memref<!tpu.dma_semaphore, #tpu.memory_space<semaphore_mem>>
      tpu.enqueue_dma source(%arg3 : memref<1024xi32, #tpu.memory_space<hbm>>) target(%arg9 : memref<1024xi32, #tpu.memory_space<vmem>>) target_semaphore(%run_scoped3A : memref<!tpu.dma_semaphore, #tpu.memory_space<semaphore_mem>>)
      tpu.wait_dma2 semaphore(%run_scoped3A : memref<!tpu.dma_semaphore, #tpu.memory_space<semaphore_mem>>) src(%arg3 : memref<1024xi32, #tpu.memory_space<hbm>>) dst(%arg9 : memref<1024xi32, #tpu.memory_space<vmem>>)
      tpu.yield
    }) : () -> ()
    "tpu.region"() ({
      %run_scoped3A = tpu.sem_alloc : memref<!tpu.dma_semaphore, #tpu.memory_space<semaphore_mem>>
      tpu.enqueue_dma source(%arg5 : memref<32xi32, #tpu.memory_space<hbm>>) target(%arg10 : memref<32xi32, #tpu.memory_space<vmem>>) target_semaphore(%run_scoped3A : memref<!tpu.dma_semaphore, #tpu.memory_space<semaphore_mem>>)
      tpu.wait_dma2 semaphore(%run_scoped3A : memref<!tpu.dma_semaphore, #tpu.memory_space<semaphore_mem>>) src(%arg5 : memref<32xi32, #tpu.memory_space<hbm>>) dst(%arg10 : memref<32xi32, #tpu.memory_space<vmem>>)
      tpu.yield
    }) : () -> ()
    "tpu.region"() ({
      %run_scoped3A = tpu.sem_alloc : memref<!tpu.dma_semaphore, #tpu.memory_space<semaphore_mem>>
      tpu.enqueue_dma source(%arg4 : memref<32xi32, #tpu.memory_space<hbm>>) target(%arg11 : memref<32xi32, #tpu.memory_space<vmem>>) target_semaphore(%run_scoped3A : memref<!tpu.dma_semaphore, #tpu.memory_space<semaphore_mem>>)
      tpu.wait_dma2 semaphore(%run_scoped3A : memref<!tpu.dma_semaphore, #tpu.memory_space<semaphore_mem>>) src(%arg4 : memref<32xi32, #tpu.memory_space<hbm>>) dst(%arg11 : memref<32xi32, #tpu.memory_space<vmem>>)
      tpu.yield
    }) : () -> ()
    %broadcast_in_dim3A_426 = vector.broadcast %add3A : i32 to vector<16xi32>
    %gather3A = tpu.vector_load_idx %arg10[%broadcast_in_dim3A_426] : memref<32xi32, #tpu.memory_space<vmem>>[vector<16xi32>], vector<16xi32>,
    %gather3A_427 = tpu.vector_load_idx %arg11[%broadcast_in_dim3A_426] : memref<32xi32, #tpu.memory_space<vmem>>[vector<16xi32>], vector<16xi32>,
    %get3A = arith.constant 0 : index
    %get3A_428 = tpu.vector_load %arg10[%get3A] {strides = array<i32>} : memref<32xi32, #tpu.memory_space<vmem>>, vector<16xi32>,
    %add3A_429 = arith.constant 0 : i32
    %add3A_430 = vector.broadcast %add3A_429 : i32 to vector<16xi32>
    %add3A_431 = arith.addi %iota3A, %add3A_430 : vector<16xi32>
    %lt3A = vector.broadcast %add3A : i32 to vector<16xi32>
    %lt3A_432 = arith.cmpi slt, %add3A_431, %lt3A : vector<16xi32>
    %jit3A = arith.constant 0 : i32
    %broadcast_in_dim3A_433 = vector.broadcast %jit3A : i32 to vector<16xi32>
    %select_n3A = arith.select %lt3A_432, %get3A_428, %broadcast_in_dim3A_433 : vector<16xi1>, vector<16xi32>
    %reduce_sum3A = arith.constant true
    %reduce_sum3A_434 = vector.broadcast %reduce_sum3A : i1 to vector<16xi1>
    %reduce_sum3A_435 = tpu.scan <sum>, %select_n3A masked %reduce_sum3A_434 : vector<16xi32>, vector<16xi1> -> vector<16xi32>
    %reduce_sum3A_436 = vector.extract %reduce_sum3A_435[15] : i32 from vector<16xi32>
    %add3A_437 = arith.constant 0 : i32
    %add3A_438 = arith.addi %add3A_437, %reduce_sum3A_436 : i32
    %get3A_439 = arith.constant 16 : index
    %get3A_440 = tpu.vector_load %arg10[%get3A_439] {strides = array<i32>} : memref<32xi32, #tpu.memory_space<vmem>>, vector<16xi32>,
    %add3A_441 = arith.constant 16 : i32
    %add3A_442 = vector.broadcast %add3A_441 : i32 to vector<16xi32>
    %add3A_443 = arith.addi %iota3A, %add3A_442 : vector<16xi32>
    %lt3A_444 = vector.broadcast %add3A : i32 to vector<16xi32>
    %lt3A_445 = arith.cmpi slt, %add3A_443, %lt3A_444 : vector<16xi32>
    %jit3A_446 = arith.constant 0 : i32
    %broadcast_in_dim3A_447 = vector.broadcast %jit3A_446 : i32 to vector<16xi32>
    %select_n3A_448 = arith.select %lt3A_445, %get3A_440, %broadcast_in_dim3A_447 : vector<16xi1>, vector<16xi32>
    %reduce_sum3A_449 = arith.constant true
    %reduce_sum3A_450 = vector.broadcast %reduce_sum3A_449 : i1 to vector<16xi1>
    %reduce_sum3A_451 = tpu.scan <sum>, %select_n3A_448 masked %reduce_sum3A_450 : vector<16xi32>, vector<16xi1> -> vector<16xi32>
    %reduce_sum3A_452 = vector.extract %reduce_sum3A_451[15] : i32 from vector<16xi32>
    %add3A_453 = arith.addi %add3A_438, %reduce_sum3A_452 : i32
    %eq3A = arith.constant 0 : i32
    %eq3A_454 = vector.broadcast %eq3A : i32 to vector<16xi32>
    %eq3A_455 = arith.cmpi eq, %iota3A, %eq3A_454 : vector<16xi32>
    %jit3A_456 = arith.constant -1 : i32
    %jit3A_457 = arith.constant 0 : i32
    %broadcast_in_dim3A_458 = vector.broadcast %jit3A_456 : i32 to vector<16xi32>
    %broadcast_in_dim3A_459 = vector.broadcast %jit3A_457 : i32 to vector<16xi32>
    %select_n3A_460 = arith.select %eq3A_455, %broadcast_in_dim3A_458, %broadcast_in_dim3A_459 : vector<16xi1>, vector<16xi32>
    %swap3A_461 = arith.constant 0 : index
    %swap3A_462 = tpu.vector_load %arg14[%swap3A_461] {strides = array<i32>} : memref<48xi32, #tpu.memory_space<vmem>>, vector<16xi32>,
    tpu.vector_store %arg14[%swap3A_461], %select_n3A_460 {strides = array<i32>} : memref<48xi32, #tpu.memory_space<vmem>>, vector<16xi32>,
    %swap3A_463 = arith.constant 16 : index
    %swap3A_464 = tpu.vector_load %arg14[%swap3A_463] {strides = array<i32>} : memref<48xi32, #tpu.memory_space<vmem>>, vector<16xi32>,
    tpu.vector_store %arg14[%swap3A_463], %broadcast_in_dim3A_1 {strides = array<i32>} : memref<48xi32, #tpu.memory_space<vmem>>, vector<16xi32>,
    %swap3A_465 = arith.constant 32 : index
    %swap3A_466 = tpu.vector_load %arg14[%swap3A_465] {strides = array<i32>} : memref<48xi32, #tpu.memory_space<vmem>>, vector<16xi32>,
    tpu.vector_store %arg14[%swap3A_465], %broadcast_in_dim3A_1 {strides = array<i32>} : memref<48xi32, #tpu.memory_space<vmem>>, vector<16xi32>,
    %add3A_467 = arith.constant 0 : i32
    %add3A_468 = vector.broadcast %add3A_467 : i32 to vector<16xi32>
    %add3A_469 = arith.addi %iota3A, %add3A_468 : vector<16xi32>
    %add3A_470 = vector.broadcast %add3A_453 : i32 to vector<16xi32>
    %add3A_471 = arith.addi %add3A_470, %add3A_469 : vector<16xi32>
    %jit3A_472 = arith.constant 0 : i32
    %jit3A_473 = arith.constant 1023 : i32
    %max3A = vector.broadcast %jit3A_472 : i32 to vector<16xi32>
    %max3A_474 = arith.maxsi %max3A, %add3A_471 : vector<16xi32>
    %min3A = vector.broadcast %jit3A_473 : i32 to vector<16xi32>
    %min3A_475 = arith.minsi %min3A, %max3A_474 : vector<16xi32>
    %gather3A_476 = tpu.vector_load_idx %arg9[%min3A_475] : memref<1024xi32, #tpu.memory_space<vmem>>[vector<16xi32>], vector<16xi32>,
    %lt3A_477 = arith.cmpi slt, %add3A_469, %gather3A : vector<16xi32>
    %jit3A_478 = arith.constant 0 : i32
    %broadcast_in_dim3A_479 = vector.broadcast %jit3A_478 : i32 to vector<16xi32>
    %select_n3A_480 = arith.select %lt3A_477, %gather3A_476, %broadcast_in_dim3A_479 : vector<16xi1>, vector<16xi32>
    %add3A_481 = arith.constant 1 : i32
    %add3A_482 = vector.broadcast %add3A_481 : i32 to vector<16xi32>
    %add3A_483 = arith.addi %add3A_469, %add3A_482 : vector<16xi32>
    tpu.vector_store_idx %arg14[%add3A_483], %select_n3A_480 : memref<48xi32, #tpu.memory_space<vmem>>[vector<16xi32>], vector<16xi32>,
    %add3A_484 = arith.constant 16 : i32
    %add3A_485 = vector.broadcast %add3A_484 : i32 to vector<16xi32>
    %add3A_486 = arith.addi %iota3A, %add3A_485 : vector<16xi32>
    %add3A_487 = vector.broadcast %add3A_453 : i32 to vector<16xi32>
    %add3A_488 = arith.addi %add3A_487, %add3A_486 : vector<16xi32>
    %jit3A_489 = arith.constant 0 : i32
    %jit3A_490 = arith.constant 1023 : i32
    %max3A_491 = vector.broadcast %jit3A_489 : i32 to vector<16xi32>
    %max3A_492 = arith.maxsi %max3A_491, %add3A_488 : vector<16xi32>
    %min3A_493 = vector.broadcast %jit3A_490 : i32 to vector<16xi32>
    %min3A_494 = arith.minsi %min3A_493, %max3A_492 : vector<16xi32>
    %gather3A_495 = tpu.vector_load_idx %arg9[%min3A_494] : memref<1024xi32, #tpu.memory_space<vmem>>[vector<16xi32>], vector<16xi32>,
    %lt3A_496 = arith.cmpi slt, %add3A_486, %gather3A : vector<16xi32>
    %jit3A_497 = arith.constant 0 : i32
    %broadcast_in_dim3A_498 = vector.broadcast %jit3A_497 : i32 to vector<16xi32>
    %select_n3A_499 = arith.select %lt3A_496, %gather3A_495, %broadcast_in_dim3A_498 : vector<16xi1>, vector<16xi32>
    %add3A_500 = arith.constant 1 : i32
    %add3A_501 = vector.broadcast %add3A_500 : i32 to vector<16xi32>
    %add3A_502 = arith.addi %add3A_486, %add3A_501 : vector<16xi32>
    tpu.vector_store_idx %arg14[%add3A_502], %select_n3A_499 : memref<48xi32, #tpu.memory_space<vmem>>[vector<16xi32>], vector<16xi32>,
    %get3A_503 = arith.constant 0 : index
    %get3A_504 = tpu.vector_load %arg14[%get3A_503] {strides = array<i32>} : memref<48xi32, #tpu.memory_space<vmem>>, vector<16xi32>,
    %ne3A = arith.constant 0 : i32
    %ne3A_505 = vector.broadcast %ne3A : i32 to vector<16xi32>
    %ne3A_506 = arith.cmpi ne, %select_n3A_480, %ne3A_505 : vector<16xi32>
    %ne3A_507 = arith.cmpi ne, %select_n3A_480, %get3A_504 : vector<16xi32>
    %and3A = arith.andi %ne3A_506, %ne3A_507 : vector<16xi1>
    %get3A_508 = arith.constant 16 : index
    %get3A_509 = tpu.vector_load %arg14[%get3A_508] {strides = array<i32>} : memref<48xi32, #tpu.memory_space<vmem>>, vector<16xi32>,
    %ne3A_510 = arith.constant 0 : i32
    %ne3A_511 = vector.broadcast %ne3A_510 : i32 to vector<16xi32>
    %ne3A_512 = arith.cmpi ne, %select_n3A_499, %ne3A_511 : vector<16xi32>
    %ne3A_513 = arith.cmpi ne, %select_n3A_499, %get3A_509 : vector<16xi32>
    %and3A_514 = arith.andi %ne3A_512, %ne3A_513 : vector<16xi1>
    %swap3A_515 = arith.constant 0 : index
    %swap3A_516 = tpu.vector_load %arg12[%swap3A_515] {strides = array<i32>} : memref<64xf32, #tpu.memory_space<vmem>>, vector<16xf32>,
    tpu.vector_store %arg12[%swap3A_515], %broadcast_in_dim3A_3 {strides = array<i32>} : memref<64xf32, #tpu.memory_space<vmem>>, vector<16xf32>,
    %swap3A_517 = arith.constant 16 : index
    %swap3A_518 = tpu.vector_load %arg12[%swap3A_517] {strides = array<i32>} : memref<64xf32, #tpu.memory_space<vmem>>, vector<16xf32>,
    tpu.vector_store %arg12[%swap3A_517], %broadcast_in_dim3A_3 {strides = array<i32>} : memref<64xf32, #tpu.memory_space<vmem>>, vector<16xf32>,
    %swap3A_519 = arith.constant 32 : index
    %swap3A_520 = tpu.vector_load %arg12[%swap3A_519] {strides = array<i32>} : memref<64xf32, #tpu.memory_space<vmem>>, vector<16xf32>,
    tpu.vector_store %arg12[%swap3A_519], %broadcast_in_dim3A_3 {strides = array<i32>} : memref<64xf32, #tpu.memory_space<vmem>>, vector<16xf32>,
    %swap3A_521 = arith.constant 48 : index
    %swap3A_522 = tpu.vector_load %arg12[%swap3A_521] {strides = array<i32>} : memref<64xf32, #tpu.memory_space<vmem>>, vector<16xf32>,
    tpu.vector_store %arg12[%swap3A_521], %broadcast_in_dim3A_3 {strides = array<i32>} : memref<64xf32, #tpu.memory_space<vmem>>, vector<16xf32>,
    %dma_wait3A = arith.constant 0 : i32
    %dma_wait3A_523 = arith.constant 0 : i32
    %dma_wait3A_524 = arith.constant 0 : i32
    %dma_wait3A_525 = tpu.memref_slice %arg8[%dma_wait3A_523, %dma_wait3A_524] : memref<512x128xf32, #tpu.memory_space<vmem>> -> memref<128x128xf32, #tpu.memory_space<vmem>>
    %dma_wait3A_526 = arith.constant 0 : i32
    %dma_wait3A_527 = tpu.memref_slice %arg7[%dma_wait3A, %dma_wait3A_526] : memref<4x128xi32, #tpu.memory_space<vmem>> -> memref<1x128xi32, #tpu.memory_space<vmem>>
    %dma_wait3A_528 = tpu.memref_squeeze %dma_wait3A_527 : memref<1x128xi32, #tpu.memory_space<vmem>> -> memref<128xi32, #tpu.memory_space<vmem>>
    %dma_wait3A_529 = arith.constant 0 : i32
    %dma_wait3A_530 = arith.constant 0 : i32
    %dma_wait3A_531 = tpu.memref_slice %arg2[%dma_wait3A_529, %dma_wait3A_530] : memref<16384x128xf32, #tpu.memory_space<hbm>> -> memref<16384x128xf32, #tpu.memory_space<hbm>>
    tpu.wait_indirect_dma semaphore(%arg16 : memref<!tpu.dma_semaphore, #tpu.memory_space<semaphore_mem>>) src(%dma_wait3A_531 : memref<16384x128xf32, #tpu.memory_space<hbm>>) dst(%dma_wait3A_525 : memref<128x128xf32, #tpu.memory_space<vmem>>)
    %gather3A_532 = tpu.vector_load_idx %arg8[%broadcast_in_dim3A_1, %broadcast_in_dim3A_1] : memref<512x128xf32, #tpu.memory_space<vmem>>[vector<16xi32>, vector<16xi32>], vector<16xf32>,
    %gather3A_533 = tpu.vector_load_idx %arg8[%broadcast_in_dim3A_1, %select_n3A_480] : memref<512x128xf32, #tpu.memory_space<vmem>>[vector<16xi32>, vector<16xi32>], vector<16xf32>,
    %eq3A_534 = arith.constant 0 : i32
    %eq3A_535 = vector.broadcast %eq3A_534 : i32 to vector<16xi32>
    %eq3A_536 = arith.cmpi eq, %iota3A, %eq3A_535 : vector<16xi32>
    %select_n3A_537 = arith.select %eq3A_536, %gather3A_532, %broadcast_in_dim3A_3 : vector<16xi1>, vector<16xf32>
    %eq3A_538 = arith.constant 0 : i32
    %eq3A_539 = vector.broadcast %eq3A_538 : i32 to vector<16xi32>
    %eq3A_540 = arith.cmpi eq, %iota3A, %eq3A_539 : vector<16xi32>
    %gt3A = arith.constant 0 : i32
    %gt3A_541 = vector.broadcast %gt3A : i32 to vector<16xi32>
    %gt3A_542 = arith.cmpi sgt, %gather3A, %gt3A_541 : vector<16xi32>
    %and3A_543 = arith.andi %eq3A_540, %gt3A_542 : vector<16xi1>
    %select_n3A_544 = arith.select %and3A_543, %gather3A_533, %broadcast_in_dim3A_3 : vector<16xi1>, vector<16xf32>
    %reduce_max3A = arith.constant true
    %reduce_max3A_545 = vector.broadcast %reduce_max3A : i1 to vector<16xi1>
    %reduce_max3A_546 = arith.constant -2147483648 : i32
    %reduce_max3A_547 = vector.broadcast %reduce_max3A_546 : i32 to vector<16xi32>
    %reduce_max3A_548 = arith.xori %gather3A_427, %reduce_max3A_547 : vector<16xi32>
    %reduce_max3A_549 = tpu.scan <max>, %reduce_max3A_548 masked %reduce_max3A_545 : vector<16xi32>, vector<16xi1> -> vector<16xi32>
    %reduce_max3A_550 = arith.xori %reduce_max3A_549, %reduce_max3A_547 : vector<16xi32>
    %reduce_max3A_551 = vector.extract %reduce_max3A_550[15] : i32 from vector<16xi32>
    %add3A_552 = arith.constant 1 : i32
    %add3A_553 = vector.broadcast %add3A_552 : i32 to vector<16xi32>
    %add3A_554 = arith.addi %iota3A, %add3A_553 : vector<16xi32>
    %and3A_555 = arith.constant 15 : i32
    %and3A_556 = vector.broadcast %and3A_555 : i32 to vector<16xi32>
    %and3A_557 = arith.andi %add3A_554, %and3A_556 : vector<16xi32>
    %eq3A_558 = arith.constant 0 : i32
    %eq3A_559 = vector.broadcast %eq3A_558 : i32 to vector<16xi32>
    %eq3A_560 = arith.cmpi eq, %iota3A, %eq3A_559 : vector<16xi32>
    %dma_wait3A_561 = arith.constant 1 : i32
    %dma_wait3A_562 = arith.constant 128 : i32
    %dma_wait3A_563 = arith.constant 0 : i32
    %dma_wait3A_564 = tpu.memref_slice %arg8[%dma_wait3A_562, %dma_wait3A_563] : memref<512x128xf32, #tpu.memory_space<vmem>> -> memref<128x128xf32, #tpu.memory_space<vmem>>
    %dma_wait3A_565 = arith.constant 0 : i32
    %dma_wait3A_566 = tpu.memref_slice %arg7[%dma_wait3A_561, %dma_wait3A_565] : memref<4x128xi32, #tpu.memory_space<vmem>> -> memref<1x128xi32, #tpu.memory_space<vmem>>
    %dma_wait3A_567 = tpu.memref_squeeze %dma_wait3A_566 : memref<1x128xi32, #tpu.memory_space<vmem>> -> memref<128xi32, #tpu.memory_space<vmem>>
    %dma_wait3A_568 = arith.constant 0 : i32
    %dma_wait3A_569 = arith.constant 0 : i32
    %dma_wait3A_570 = tpu.memref_slice %arg2[%dma_wait3A_568, %dma_wait3A_569] : memref<16384x128xf32, #tpu.memory_space<hbm>> -> memref<16384x128xf32, #tpu.memory_space<hbm>>
    tpu.wait_indirect_dma semaphore(%arg16 : memref<!tpu.dma_semaphore, #tpu.memory_space<semaphore_mem>>) src(%dma_wait3A_570 : memref<16384x128xf32, #tpu.memory_space<hbm>>) dst(%dma_wait3A_564 : memref<128x128xf32, #tpu.memory_space<vmem>>)
    %dma_wait3A_571 = arith.constant 2 : i32
    %dma_wait3A_572 = arith.constant 256 : i32
    %dma_wait3A_573 = arith.constant 0 : i32
    %dma_wait3A_574 = tpu.memref_slice %arg8[%dma_wait3A_572, %dma_wait3A_573] : memref<512x128xf32, #tpu.memory_space<vmem>> -> memref<128x128xf32, #tpu.memory_space<vmem>>
    %dma_wait3A_575 = arith.constant 0 : i32
    %dma_wait3A_576 = tpu.memref_slice %arg7[%dma_wait3A_571, %dma_wait3A_575] : memref<4x128xi32, #tpu.memory_space<vmem>> -> memref<1x128xi32, #tpu.memory_space<vmem>>
    %dma_wait3A_577 = tpu.memref_squeeze %dma_wait3A_576 : memref<1x128xi32, #tpu.memory_space<vmem>> -> memref<128xi32, #tpu.memory_space<vmem>>
    %dma_wait3A_578 = arith.constant 0 : i32
    %dma_wait3A_579 = arith.constant 0 : i32
    %dma_wait3A_580 = tpu.memref_slice %arg2[%dma_wait3A_578, %dma_wait3A_579] : memref<16384x128xf32, #tpu.memory_space<hbm>> -> memref<16384x128xf32, #tpu.memory_space<hbm>>
    tpu.wait_indirect_dma semaphore(%arg16 : memref<!tpu.dma_semaphore, #tpu.memory_space<semaphore_mem>>) src(%dma_wait3A_580 : memref<16384x128xf32, #tpu.memory_space<hbm>>) dst(%dma_wait3A_574 : memref<128x128xf32, #tpu.memory_space<vmem>>)
    %dma_wait3A_581 = arith.constant 3 : i32
    %dma_wait3A_582 = arith.constant 384 : i32
    %dma_wait3A_583 = arith.constant 0 : i32
    %dma_wait3A_584 = tpu.memref_slice %arg8[%dma_wait3A_582, %dma_wait3A_583] : memref<512x128xf32, #tpu.memory_space<vmem>> -> memref<128x128xf32, #tpu.memory_space<vmem>>
    %dma_wait3A_585 = arith.constant 0 : i32
    %dma_wait3A_586 = tpu.memref_slice %arg7[%dma_wait3A_581, %dma_wait3A_585] : memref<4x128xi32, #tpu.memory_space<vmem>> -> memref<1x128xi32, #tpu.memory_space<vmem>>
    %dma_wait3A_587 = tpu.memref_squeeze %dma_wait3A_586 : memref<1x128xi32, #tpu.memory_space<vmem>> -> memref<128xi32, #tpu.memory_space<vmem>>
    %dma_wait3A_588 = arith.constant 0 : i32
    %dma_wait3A_589 = arith.constant 0 : i32
    %dma_wait3A_590 = tpu.memref_slice %arg2[%dma_wait3A_588, %dma_wait3A_589] : memref<16384x128xf32, #tpu.memory_space<hbm>> -> memref<16384x128xf32, #tpu.memory_space<hbm>>
    tpu.wait_indirect_dma semaphore(%arg16 : memref<!tpu.dma_semaphore, #tpu.memory_space<semaphore_mem>>) src(%dma_wait3A_590 : memref<16384x128xf32, #tpu.memory_space<hbm>>) dst(%dma_wait3A_584 : memref<128x128xf32, #tpu.memory_space<vmem>>)
    %sub3A = arith.constant 1 : i32
    %sub3A_591 = arith.subi %reduce_max3A_551, %sub3A : i32
    %jit3A_592 = arith.constant 2 : i32
    %div3A = arith.divsi %sub3A_591, %jit3A_592 : i32
    %sign3A = arith.constant 0 : i32
    %sign3A_593 = arith.cmpi sgt, %sub3A_591, %sign3A : i32
    %sign3A_594 = arith.extui %sign3A_593 : i1 to i32
    %sign3A_595 = arith.constant 0 : i32
    %sign3A_596 = arith.cmpi slt, %sub3A_591, %sign3A_595 : i32
    %sign3A_597 = arith.extui %sign3A_596 : i1 to i32
    %sign3A_598 = arith.subi %sign3A_594, %sign3A_597 : i32
    %sign3A_599 = arith.constant 0 : i32
    %sign3A_600 = arith.cmpi sgt, %jit3A_592, %sign3A_599 : i32
    %sign3A_601 = arith.extui %sign3A_600 : i1 to i32
    %sign3A_602 = arith.constant 0 : i32
    %sign3A_603 = arith.cmpi slt, %jit3A_592, %sign3A_602 : i32
    %sign3A_604 = arith.extui %sign3A_603 : i1 to i32
    %sign3A_605 = arith.subi %sign3A_601, %sign3A_604 : i32
    %ne3A_606 = arith.cmpi ne, %sign3A_598, %sign3A_605 : i32
    %rem3A = arith.remsi %sub3A_591, %jit3A_592 : i32
    %ne3A_607 = arith.constant 0 : i32
    %ne3A_608 = arith.cmpi ne, %rem3A, %ne3A_607 : i32
    %and3A_609 = arith.andi %ne3A_606, %ne3A_608 : i1
    %sub3A_610 = arith.constant 1 : i32
    %sub3A_611 = arith.subi %div3A, %sub3A_610 : i32
    %select_n3A_612 = arith.select %and3A_609, %sub3A_611, %div3A : i32
    %while3A = arith.constant 0 : i32
    %while3A_613 = arith.subi %select_n3A_612, %while3A : i32
    %while3A_614 = arith.addi %while3A, %while3A_613 : i32
    %while3A_615 = arith.constant 1 : i32
    %while3A_616 = arith.divsi %while3A_613, %while3A_615 : i32
    %while3A_617 = arith.muli %while3A_616, %while3A_615 : i32
    %while3A_618 = arith.addi %while3A, %while3A_617 : i32
    %while3A_619 = arith.constant 1 : i32
    %while3A_620:5 = scf.for %while3A_864 = %while3A to %while3A_618 step %while3A_619 iter_args(%while3A_865 = %select_n3A_537, %while3A_866 = %broadcast_in_dim3A_3, %while3A_867 = %broadcast_in_dim3A_3, %while3A_868 = %select_n3A_544, %while3A_869 = %broadcast_in_dim3A_3) -> (vector<16xf32>, vector<16xf32>, vector<16xf32>, vector<16xf32>, vector<16xf32>)  : i32 {
      %mul3A_870 = arith.constant 2 : i32
      %mul3A_871 = arith.muli %mul3A_870, %while3A_864 : i32
      %add3A_872 = arith.constant 1 : i32
      %add3A_873 = arith.addi %add3A_872, %mul3A_871 : i32
      %add3A_874 = arith.constant 1 : i32
      %add3A_875 = arith.addi %add3A_873, %add3A_874 : i32
      %broadcast_in_dim3A_876 = vector.broadcast %add3A_873 : i32 to vector<16xi32>
      %gather3A_877 = tpu.vector_load_idx %arg8[%broadcast_in_dim3A_876, %broadcast_in_dim3A_1] : memref<512x128xf32, #tpu.memory_space<vmem>>[vector<16xi32>, vector<16xi32>], vector<16xf32>,
      %masked_sort3A_878 = arith.constant dense<true> : vector<16xi1>
      %masked_sort3A_879 = arith.constant -2147483648 : i32
      %masked_sort3A_880 = vector.broadcast %masked_sort3A_879 : i32 to vector<16xi32>
      %masked_sort3A_881 = arith.xori %and3A_557, %masked_sort3A_880 : vector<16xi32>
      %masked_sort3A_882, %masked_sort3A_883, %masked_sort3A_884 = tpu.sort %masked_sort3A_881, %while3A_868 masked %masked_sort3A_878 : (vector<16xi32>, vector<16xf32>, vector<16xi1>) -> (vector<16xi1>, vector<16xi32>, vector<16xf32>)
      %masked_sort3A_885 = arith.xori %masked_sort3A_883, %masked_sort3A_880 : vector<16xi32>
      %masked_sort3A_886 = arith.constant dense<true> : vector<16xi1>
      %masked_sort3A_887 = arith.constant -2147483648 : i32
      %masked_sort3A_888 = vector.broadcast %masked_sort3A_887 : i32 to vector<16xi32>
      %masked_sort3A_889 = arith.xori %and3A_557, %masked_sort3A_888 : vector<16xi32>
      %masked_sort3A_890, %masked_sort3A_891, %masked_sort3A_892 = tpu.sort %masked_sort3A_889, %while3A_869 masked %masked_sort3A_886 : (vector<16xi32>, vector<16xf32>, vector<16xi1>) -> (vector<16xi1>, vector<16xi32>, vector<16xf32>)
      %masked_sort3A_893 = arith.xori %masked_sort3A_891, %masked_sort3A_888 : vector<16xi32>
      %select_n3A_894 = arith.select %eq3A_560, %broadcast_in_dim3A_3, %masked_sort3A_884 : vector<16xi1>, vector<16xf32>
      %select_n3A_895 = arith.select %eq3A_560, %masked_sort3A_884, %masked_sort3A_892 : vector<16xi1>, vector<16xf32>
      %select_n3A_896 = arith.select %eq3A_560, %masked_sort3A_892, %broadcast_in_dim3A_3 : vector<16xi1>, vector<16xf32>
      %max3A_897 = arith.maximumf %while3A_865, %select_n3A_894 : vector<16xf32>
      %min3A_898 = arith.minimumf %while3A_865, %select_n3A_894 : vector<16xf32>
      %sub3A_899 = arith.subf %min3A_898, %max3A_897 : vector<16xf32>
      %exp3A_900 = math.exp %sub3A_899 : vector<16xf32>
      %mul3A_901 = arith.constant -0.0543709323 : f32
      %mul3A_902 = vector.broadcast %mul3A_901 : f32 to vector<16xf32>
      %mul3A_903 = arith.mulf %exp3A_900, %mul3A_902 : vector<16xf32>
      %add3A_904 = arith.constant 0.216448709 : f32
      %add3A_905 = vector.broadcast %add3A_904 : f32 to vector<16xf32>
      %add3A_906 = arith.addf %mul3A_903, %add3A_905 : vector<16xf32>
      %mul3A_907 = arith.mulf %add3A_906, %exp3A_900 : vector<16xf32>
      %add3A_908 = arith.constant -0.465020448 : f32
      %add3A_909 = vector.broadcast %add3A_908 : f32 to vector<16xf32>
      %add3A_910 = arith.addf %mul3A_907, %add3A_909 : vector<16xf32>
      %mul3A_911 = arith.mulf %add3A_910, %exp3A_900 : vector<16xf32>
      %add3A_912 = arith.constant 0.995965778 : f32
      %add3A_913 = vector.broadcast %add3A_912 : f32 to vector<16xf32>
      %add3A_914 = arith.addf %mul3A_911, %add3A_913 : vector<16xf32>
      %mul3A_915 = arith.mulf %add3A_914, %exp3A_900 : vector<16xf32>
      %add3A_916 = arith.constant 7.94207735E-5 : f32
      %add3A_917 = vector.broadcast %add3A_916 : f32 to vector<16xf32>
      %add3A_918 = arith.addf %mul3A_915, %add3A_917 : vector<16xf32>
      %add3A_919 = arith.addf %max3A_897, %add3A_918 : vector<16xf32>
      %add3A_920 = arith.addf %add3A_919, %gather3A_877 : vector<16xf32>
      %max3A_921 = arith.maximumf %while3A_866, %select_n3A_895 : vector<16xf32>
      %min3A_922 = arith.minimumf %while3A_866, %select_n3A_895 : vector<16xf32>
      %sub3A_923 = arith.subf %min3A_922, %max3A_921 : vector<16xf32>
      %exp3A_924 = math.exp %sub3A_923 : vector<16xf32>
      %mul3A_925 = arith.constant -0.0543709323 : f32
      %mul3A_926 = vector.broadcast %mul3A_925 : f32 to vector<16xf32>
      %mul3A_927 = arith.mulf %exp3A_924, %mul3A_926 : vector<16xf32>
      %add3A_928 = arith.constant 0.216448709 : f32
      %add3A_929 = vector.broadcast %add3A_928 : f32 to vector<16xf32>
      %add3A_930 = arith.addf %mul3A_927, %add3A_929 : vector<16xf32>
      %mul3A_931 = arith.mulf %add3A_930, %exp3A_924 : vector<16xf32>
      %add3A_932 = arith.constant -0.465020448 : f32
      %add3A_933 = vector.broadcast %add3A_932 : f32 to vector<16xf32>
      %add3A_934 = arith.addf %mul3A_931, %add3A_933 : vector<16xf32>
      %mul3A_935 = arith.mulf %add3A_934, %exp3A_924 : vector<16xf32>
      %add3A_936 = arith.constant 0.995965778 : f32
      %add3A_937 = vector.broadcast %add3A_936 : f32 to vector<16xf32>
      %add3A_938 = arith.addf %mul3A_935, %add3A_937 : vector<16xf32>
      %mul3A_939 = arith.mulf %add3A_938, %exp3A_924 : vector<16xf32>
      %add3A_940 = arith.constant 7.94207735E-5 : f32
      %add3A_941 = vector.broadcast %add3A_940 : f32 to vector<16xf32>
      %add3A_942 = arith.addf %mul3A_939, %add3A_941 : vector<16xf32>
      %add3A_943 = arith.addf %max3A_921, %add3A_942 : vector<16xf32>
      %add3A_944 = arith.addf %add3A_943, %gather3A_877 : vector<16xf32>
      %max3A_945 = arith.maximumf %while3A_867, %select_n3A_896 : vector<16xf32>
      %min3A_946 = arith.minimumf %while3A_867, %select_n3A_896 : vector<16xf32>
      %sub3A_947 = arith.subf %min3A_946, %max3A_945 : vector<16xf32>
      %exp3A_948 = math.exp %sub3A_947 : vector<16xf32>
      %mul3A_949 = arith.constant -0.0543709323 : f32
      %mul3A_950 = vector.broadcast %mul3A_949 : f32 to vector<16xf32>
      %mul3A_951 = arith.mulf %exp3A_948, %mul3A_950 : vector<16xf32>
      %add3A_952 = arith.constant 0.216448709 : f32
      %add3A_953 = vector.broadcast %add3A_952 : f32 to vector<16xf32>
      %add3A_954 = arith.addf %mul3A_951, %add3A_953 : vector<16xf32>
      %mul3A_955 = arith.mulf %add3A_954, %exp3A_948 : vector<16xf32>
      %add3A_956 = arith.constant -0.465020448 : f32
      %add3A_957 = vector.broadcast %add3A_956 : f32 to vector<16xf32>
      %add3A_958 = arith.addf %mul3A_955, %add3A_957 : vector<16xf32>
      %mul3A_959 = arith.mulf %add3A_958, %exp3A_948 : vector<16xf32>
      %add3A_960 = arith.constant 0.995965778 : f32
      %add3A_961 = vector.broadcast %add3A_960 : f32 to vector<16xf32>
      %add3A_962 = arith.addf %mul3A_959, %add3A_961 : vector<16xf32>
      %mul3A_963 = arith.mulf %add3A_962, %exp3A_948 : vector<16xf32>
      %add3A_964 = arith.constant 7.94207735E-5 : f32
      %add3A_965 = vector.broadcast %add3A_964 : f32 to vector<16xf32>
      %add3A_966 = arith.addf %mul3A_963, %add3A_965 : vector<16xf32>
      %add3A_967 = arith.addf %max3A_945, %add3A_966 : vector<16xf32>
      %add3A_968 = arith.addf %add3A_967, %gather3A_877 : vector<16xf32>
      %gather3A_969 = tpu.vector_load_idx %arg8[%broadcast_in_dim3A_876, %select_n3A_480] : memref<512x128xf32, #tpu.memory_space<vmem>>[vector<16xi32>, vector<16xi32>], vector<16xf32>,
      %select_n3A_970 = arith.select %and3A, %select_n3A_894, %broadcast_in_dim3A_3 : vector<16xi1>, vector<16xf32>
      %max3A_971 = arith.maximumf %while3A_868, %while3A_865 : vector<16xf32>
      %max3A_972 = arith.maximumf %max3A_971, %select_n3A_970 : vector<16xf32>
      %sub3A_973 = arith.subf %while3A_868, %max3A_972 : vector<16xf32>
      %exp3A_974 = math.exp %sub3A_973 : vector<16xf32>
      %sub3A_975 = arith.subf %while3A_865, %max3A_972 : vector<16xf32>
      %exp3A_976 = math.exp %sub3A_975 : vector<16xf32>
      %add3A_977 = arith.addf %exp3A_974, %exp3A_976 : vector<16xf32>
      %sub3A_978 = arith.subf %select_n3A_970, %max3A_972 : vector<16xf32>
      %exp3A_979 = math.exp %sub3A_978 : vector<16xf32>
      %add3A_980 = arith.addf %add3A_977, %exp3A_979 : vector<16xf32>
      %mul3A_981 = arith.constant -0.01963217 : f32
      %mul3A_982 = vector.broadcast %mul3A_981 : f32 to vector<16xf32>
      %mul3A_983 = arith.mulf %add3A_980, %mul3A_982 : vector<16xf32>
      %add3A_984 = arith.constant 0.208245039 : f32
      %add3A_985 = vector.broadcast %add3A_984 : f32 to vector<16xf32>
      %add3A_986 = arith.addf %mul3A_983, %add3A_985 : vector<16xf32>
      %mul3A_987 = arith.mulf %add3A_986, %add3A_980 : vector<16xf32>
      %add3A_988 = arith.constant -0.902246177 : f32
      %add3A_989 = vector.broadcast %add3A_988 : f32 to vector<16xf32>
      %add3A_990 = arith.addf %mul3A_987, %add3A_989 : vector<16xf32>
      %mul3A_991 = arith.mulf %add3A_990, %add3A_980 : vector<16xf32>
      %add3A_992 = arith.constant 2.23577976 : f32
      %add3A_993 = vector.broadcast %add3A_992 : f32 to vector<16xf32>
      %add3A_994 = arith.addf %mul3A_991, %add3A_993 : vector<16xf32>
      %mul3A_995 = arith.mulf %add3A_994, %add3A_980 : vector<16xf32>
      %add3A_996 = arith.constant -1.52127302 : f32
      %add3A_997 = vector.broadcast %add3A_996 : f32 to vector<16xf32>
      %add3A_998 = arith.addf %mul3A_995, %add3A_997 : vector<16xf32>
      %add3A_999 = arith.addf %max3A_972, %add3A_998 : vector<16xf32>
      %add3A_1000 = arith.addf %add3A_999, %gather3A_969 : vector<16xf32>
      %gather3A_1001 = tpu.vector_load_idx %arg8[%broadcast_in_dim3A_876, %select_n3A_499] : memref<512x128xf32, #tpu.memory_space<vmem>>[vector<16xi32>, vector<16xi32>], vector<16xf32>,
      %select_n3A_1002 = arith.select %and3A_514, %select_n3A_895, %broadcast_in_dim3A_3 : vector<16xi1>, vector<16xf32>
      %max3A_1003 = arith.maximumf %while3A_869, %while3A_866 : vector<16xf32>
      %max3A_1004 = arith.maximumf %max3A_1003, %select_n3A_1002 : vector<16xf32>
      %sub3A_1005 = arith.subf %while3A_869, %max3A_1004 : vector<16xf32>
      %exp3A_1006 = math.exp %sub3A_1005 : vector<16xf32>
      %sub3A_1007 = arith.subf %while3A_866, %max3A_1004 : vector<16xf32>
      %exp3A_1008 = math.exp %sub3A_1007 : vector<16xf32>
      %add3A_1009 = arith.addf %exp3A_1006, %exp3A_1008 : vector<16xf32>
      %sub3A_1010 = arith.subf %select_n3A_1002, %max3A_1004 : vector<16xf32>
      %exp3A_1011 = math.exp %sub3A_1010 : vector<16xf32>
      %add3A_1012 = arith.addf %add3A_1009, %exp3A_1011 : vector<16xf32>
      %mul3A_1013 = arith.constant -0.01963217 : f32
      %mul3A_1014 = vector.broadcast %mul3A_1013 : f32 to vector<16xf32>
      %mul3A_1015 = arith.mulf %add3A_1012, %mul3A_1014 : vector<16xf32>
      %add3A_1016 = arith.constant 0.208245039 : f32
      %add3A_1017 = vector.broadcast %add3A_1016 : f32 to vector<16xf32>
      %add3A_1018 = arith.addf %mul3A_1015, %add3A_1017 : vector<16xf32>
      %mul3A_1019 = arith.mulf %add3A_1018, %add3A_1012 : vector<16xf32>
      %add3A_1020 = arith.constant -0.902246177 : f32
      %add3A_1021 = vector.broadcast %add3A_1020 : f32 to vector<16xf32>
      %add3A_1022 = arith.addf %mul3A_1019, %add3A_1021 : vector<16xf32>
      %mul3A_1023 = arith.mulf %add3A_1022, %add3A_1012 : vector<16xf32>
      %add3A_1024 = arith.constant 2.23577976 : f32
      %add3A_1025 = vector.broadcast %add3A_1024 : f32 to vector<16xf32>
      %add3A_1026 = arith.addf %mul3A_1023, %add3A_1025 : vector<16xf32>
      %mul3A_1027 = arith.mulf %add3A_1026, %add3A_1012 : vector<16xf32>
      %add3A_1028 = arith.constant -1.52127302 : f32
      %add3A_1029 = vector.broadcast %add3A_1028 : f32 to vector<16xf32>
      %add3A_1030 = arith.addf %mul3A_1027, %add3A_1029 : vector<16xf32>
      %add3A_1031 = arith.addf %max3A_1004, %add3A_1030 : vector<16xf32>
      %add3A_1032 = arith.addf %add3A_1031, %gather3A_1001 : vector<16xf32>
      %broadcast_in_dim3A_1033 = vector.broadcast %add3A_875 : i32 to vector<16xi32>
      %gather3A_1034 = tpu.vector_load_idx %arg8[%broadcast_in_dim3A_1033, %broadcast_in_dim3A_1] : memref<512x128xf32, #tpu.memory_space<vmem>>[vector<16xi32>, vector<16xi32>], vector<16xf32>,
      %masked_sort3A_1035 = arith.constant dense<true> : vector<16xi1>
      %masked_sort3A_1036 = arith.constant -2147483648 : i32
      %masked_sort3A_1037 = vector.broadcast %masked_sort3A_1036 : i32 to vector<16xi32>
      %masked_sort3A_1038 = arith.xori %and3A_557, %masked_sort3A_1037 : vector<16xi32>
      %masked_sort3A_1039, %masked_sort3A_1040, %masked_sort3A_1041 = tpu.sort %masked_sort3A_1038, %add3A_1000 masked %masked_sort3A_1035 : (vector<16xi32>, vector<16xf32>, vector<16xi1>) -> (vector<16xi1>, vector<16xi32>, vector<16xf32>)
      %masked_sort3A_1042 = arith.xori %masked_sort3A_1040, %masked_sort3A_1037 : vector<16xi32>
      %masked_sort3A_1043 = arith.constant dense<true> : vector<16xi1>
      %masked_sort3A_1044 = arith.constant -2147483648 : i32
      %masked_sort3A_1045 = vector.broadcast %masked_sort3A_1044 : i32 to vector<16xi32>
      %masked_sort3A_1046 = arith.xori %and3A_557, %masked_sort3A_1045 : vector<16xi32>
      %masked_sort3A_1047, %masked_sort3A_1048, %masked_sort3A_1049 = tpu.sort %masked_sort3A_1046, %add3A_1032 masked %masked_sort3A_1043 : (vector<16xi32>, vector<16xf32>, vector<16xi1>) -> (vector<16xi1>, vector<16xi32>, vector<16xf32>)
      %masked_sort3A_1050 = arith.xori %masked_sort3A_1048, %masked_sort3A_1045 : vector<16xi32>
      %select_n3A_1051 = arith.select %eq3A_560, %broadcast_in_dim3A_3, %masked_sort3A_1041 : vector<16xi1>, vector<16xf32>
      %select_n3A_1052 = arith.select %eq3A_560, %masked_sort3A_1041, %masked_sort3A_1049 : vector<16xi1>, vector<16xf32>
      %select_n3A_1053 = arith.select %eq3A_560, %masked_sort3A_1049, %broadcast_in_dim3A_3 : vector<16xi1>, vector<16xf32>
      %max3A_1054 = arith.maximumf %add3A_920, %select_n3A_1051 : vector<16xf32>
      %min3A_1055 = arith.minimumf %add3A_920, %select_n3A_1051 : vector<16xf32>
      %sub3A_1056 = arith.subf %min3A_1055, %max3A_1054 : vector<16xf32>
      %exp3A_1057 = math.exp %sub3A_1056 : vector<16xf32>
      %mul3A_1058 = arith.constant -0.0543709323 : f32
      %mul3A_1059 = vector.broadcast %mul3A_1058 : f32 to vector<16xf32>
      %mul3A_1060 = arith.mulf %exp3A_1057, %mul3A_1059 : vector<16xf32>
      %add3A_1061 = arith.constant 0.216448709 : f32
      %add3A_1062 = vector.broadcast %add3A_1061 : f32 to vector<16xf32>
      %add3A_1063 = arith.addf %mul3A_1060, %add3A_1062 : vector<16xf32>
      %mul3A_1064 = arith.mulf %add3A_1063, %exp3A_1057 : vector<16xf32>
      %add3A_1065 = arith.constant -0.465020448 : f32
      %add3A_1066 = vector.broadcast %add3A_1065 : f32 to vector<16xf32>
      %add3A_1067 = arith.addf %mul3A_1064, %add3A_1066 : vector<16xf32>
      %mul3A_1068 = arith.mulf %add3A_1067, %exp3A_1057 : vector<16xf32>
      %add3A_1069 = arith.constant 0.995965778 : f32
      %add3A_1070 = vector.broadcast %add3A_1069 : f32 to vector<16xf32>
      %add3A_1071 = arith.addf %mul3A_1068, %add3A_1070 : vector<16xf32>
      %mul3A_1072 = arith.mulf %add3A_1071, %exp3A_1057 : vector<16xf32>
      %add3A_1073 = arith.constant 7.94207735E-5 : f32
      %add3A_1074 = vector.broadcast %add3A_1073 : f32 to vector<16xf32>
      %add3A_1075 = arith.addf %mul3A_1072, %add3A_1074 : vector<16xf32>
      %add3A_1076 = arith.addf %max3A_1054, %add3A_1075 : vector<16xf32>
      %add3A_1077 = arith.addf %add3A_1076, %gather3A_1034 : vector<16xf32>
      %max3A_1078 = arith.maximumf %add3A_944, %select_n3A_1052 : vector<16xf32>
      %min3A_1079 = arith.minimumf %add3A_944, %select_n3A_1052 : vector<16xf32>
      %sub3A_1080 = arith.subf %min3A_1079, %max3A_1078 : vector<16xf32>
      %exp3A_1081 = math.exp %sub3A_1080 : vector<16xf32>
      %mul3A_1082 = arith.constant -0.0543709323 : f32
      %mul3A_1083 = vector.broadcast %mul3A_1082 : f32 to vector<16xf32>
      %mul3A_1084 = arith.mulf %exp3A_1081, %mul3A_1083 : vector<16xf32>
      %add3A_1085 = arith.constant 0.216448709 : f32
      %add3A_1086 = vector.broadcast %add3A_1085 : f32 to vector<16xf32>
      %add3A_1087 = arith.addf %mul3A_1084, %add3A_1086 : vector<16xf32>
      %mul3A_1088 = arith.mulf %add3A_1087, %exp3A_1081 : vector<16xf32>
      %add3A_1089 = arith.constant -0.465020448 : f32
      %add3A_1090 = vector.broadcast %add3A_1089 : f32 to vector<16xf32>
      %add3A_1091 = arith.addf %mul3A_1088, %add3A_1090 : vector<16xf32>
      %mul3A_1092 = arith.mulf %add3A_1091, %exp3A_1081 : vector<16xf32>
      %add3A_1093 = arith.constant 0.995965778 : f32
      %add3A_1094 = vector.broadcast %add3A_1093 : f32 to vector<16xf32>
      %add3A_1095 = arith.addf %mul3A_1092, %add3A_1094 : vector<16xf32>
      %mul3A_1096 = arith.mulf %add3A_1095, %exp3A_1081 : vector<16xf32>
      %add3A_1097 = arith.constant 7.94207735E-5 : f32
      %add3A_1098 = vector.broadcast %add3A_1097 : f32 to vector<16xf32>
      %add3A_1099 = arith.addf %mul3A_1096, %add3A_1098 : vector<16xf32>
      %add3A_1100 = arith.addf %max3A_1078, %add3A_1099 : vector<16xf32>
      %add3A_1101 = arith.addf %add3A_1100, %gather3A_1034 : vector<16xf32>
      %max3A_1102 = arith.maximumf %add3A_968, %select_n3A_1053 : vector<16xf32>
      %min3A_1103 = arith.minimumf %add3A_968, %select_n3A_1053 : vector<16xf32>
      %sub3A_1104 = arith.subf %min3A_1103, %max3A_1102 : vector<16xf32>
      %exp3A_1105 = math.exp %sub3A_1104 : vector<16xf32>
      %mul3A_1106 = arith.constant -0.0543709323 : f32
      %mul3A_1107 = vector.broadcast %mul3A_1106 : f32 to vector<16xf32>
      %mul3A_1108 = arith.mulf %exp3A_1105, %mul3A_1107 : vector<16xf32>
      %add3A_1109 = arith.constant 0.216448709 : f32
      %add3A_1110 = vector.broadcast %add3A_1109 : f32 to vector<16xf32>
      %add3A_1111 = arith.addf %mul3A_1108, %add3A_1110 : vector<16xf32>
      %mul3A_1112 = arith.mulf %add3A_1111, %exp3A_1105 : vector<16xf32>
      %add3A_1113 = arith.constant -0.465020448 : f32
      %add3A_1114 = vector.broadcast %add3A_1113 : f32 to vector<16xf32>
      %add3A_1115 = arith.addf %mul3A_1112, %add3A_1114 : vector<16xf32>
      %mul3A_1116 = arith.mulf %add3A_1115, %exp3A_1105 : vector<16xf32>
      %add3A_1117 = arith.constant 0.995965778 : f32
      %add3A_1118 = vector.broadcast %add3A_1117 : f32 to vector<16xf32>
      %add3A_1119 = arith.addf %mul3A_1116, %add3A_1118 : vector<16xf32>
      %mul3A_1120 = arith.mulf %add3A_1119, %exp3A_1105 : vector<16xf32>
      %add3A_1121 = arith.constant 7.94207735E-5 : f32
      %add3A_1122 = vector.broadcast %add3A_1121 : f32 to vector<16xf32>
      %add3A_1123 = arith.addf %mul3A_1120, %add3A_1122 : vector<16xf32>
      %add3A_1124 = arith.addf %max3A_1102, %add3A_1123 : vector<16xf32>
      %add3A_1125 = arith.addf %add3A_1124, %gather3A_1034 : vector<16xf32>
      %gather3A_1126 = tpu.vector_load_idx %arg8[%broadcast_in_dim3A_1033, %select_n3A_480] : memref<512x128xf32, #tpu.memory_space<vmem>>[vector<16xi32>, vector<16xi32>], vector<16xf32>,
      %select_n3A_1127 = arith.select %and3A, %select_n3A_1051, %broadcast_in_dim3A_3 : vector<16xi1>, vector<16xf32>
      %max3A_1128 = arith.maximumf %add3A_1000, %add3A_920 : vector<16xf32>
      %max3A_1129 = arith.maximumf %max3A_1128, %select_n3A_1127 : vector<16xf32>
      %sub3A_1130 = arith.subf %add3A_1000, %max3A_1129 : vector<16xf32>
      %exp3A_1131 = math.exp %sub3A_1130 : vector<16xf32>
      %sub3A_1132 = arith.subf %add3A_920, %max3A_1129 : vector<16xf32>
      %exp3A_1133 = math.exp %sub3A_1132 : vector<16xf32>
      %add3A_1134 = arith.addf %exp3A_1131, %exp3A_1133 : vector<16xf32>
      %sub3A_1135 = arith.subf %select_n3A_1127, %max3A_1129 : vector<16xf32>
      %exp3A_1136 = math.exp %sub3A_1135 : vector<16xf32>
      %add3A_1137 = arith.addf %add3A_1134, %exp3A_1136 : vector<16xf32>
      %mul3A_1138 = arith.constant -0.01963217 : f32
      %mul3A_1139 = vector.broadcast %mul3A_1138 : f32 to vector<16xf32>
      %mul3A_1140 = arith.mulf %add3A_1137, %mul3A_1139 : vector<16xf32>
      %add3A_1141 = arith.constant 0.208245039 : f32
      %add3A_1142 = vector.broadcast %add3A_1141 : f32 to vector<16xf32>
      %add3A_1143 = arith.addf %mul3A_1140, %add3A_1142 : vector<16xf32>
      %mul3A_1144 = arith.mulf %add3A_1143, %add3A_1137 : vector<16xf32>
      %add3A_1145 = arith.constant -0.902246177 : f32
      %add3A_1146 = vector.broadcast %add3A_1145 : f32 to vector<16xf32>
      %add3A_1147 = arith.addf %mul3A_1144, %add3A_1146 : vector<16xf32>
      %mul3A_1148 = arith.mulf %add3A_1147, %add3A_1137 : vector<16xf32>
      %add3A_1149 = arith.constant 2.23577976 : f32
      %add3A_1150 = vector.broadcast %add3A_1149 : f32 to vector<16xf32>
      %add3A_1151 = arith.addf %mul3A_1148, %add3A_1150 : vector<16xf32>
      %mul3A_1152 = arith.mulf %add3A_1151, %add3A_1137 : vector<16xf32>
      %add3A_1153 = arith.constant -1.52127302 : f32
      %add3A_1154 = vector.broadcast %add3A_1153 : f32 to vector<16xf32>
      %add3A_1155 = arith.addf %mul3A_1152, %add3A_1154 : vector<16xf32>
      %add3A_1156 = arith.addf %max3A_1129, %add3A_1155 : vector<16xf32>
      %add3A_1157 = arith.addf %add3A_1156, %gather3A_1126 : vector<16xf32>
      %gather3A_1158 = tpu.vector_load_idx %arg8[%broadcast_in_dim3A_1033, %select_n3A_499] : memref<512x128xf32, #tpu.memory_space<vmem>>[vector<16xi32>, vector<16xi32>], vector<16xf32>,
      %select_n3A_1159 = arith.select %and3A_514, %select_n3A_1052, %broadcast_in_dim3A_3 : vector<16xi1>, vector<16xf32>
      %max3A_1160 = arith.maximumf %add3A_1032, %add3A_944 : vector<16xf32>
      %max3A_1161 = arith.maximumf %max3A_1160, %select_n3A_1159 : vector<16xf32>
      %sub3A_1162 = arith.subf %add3A_1032, %max3A_1161 : vector<16xf32>
      %exp3A_1163 = math.exp %sub3A_1162 : vector<16xf32>
      %sub3A_1164 = arith.subf %add3A_944, %max3A_1161 : vector<16xf32>
      %exp3A_1165 = math.exp %sub3A_1164 : vector<16xf32>
      %add3A_1166 = arith.addf %exp3A_1163, %exp3A_1165 : vector<16xf32>
      %sub3A_1167 = arith.subf %select_n3A_1159, %max3A_1161 : vector<16xf32>
      %exp3A_1168 = math.exp %sub3A_1167 : vector<16xf32>
      %add3A_1169 = arith.addf %add3A_1166, %exp3A_1168 : vector<16xf32>
      %mul3A_1170 = arith.constant -0.01963217 : f32
      %mul3A_1171 = vector.broadcast %mul3A_1170 : f32 to vector<16xf32>
      %mul3A_1172 = arith.mulf %add3A_1169, %mul3A_1171 : vector<16xf32>
      %add3A_1173 = arith.constant 0.208245039 : f32
      %add3A_1174 = vector.broadcast %add3A_1173 : f32 to vector<16xf32>
      %add3A_1175 = arith.addf %mul3A_1172, %add3A_1174 : vector<16xf32>
      %mul3A_1176 = arith.mulf %add3A_1175, %add3A_1169 : vector<16xf32>
      %add3A_1177 = arith.constant -0.902246177 : f32
      %add3A_1178 = vector.broadcast %add3A_1177 : f32 to vector<16xf32>
      %add3A_1179 = arith.addf %mul3A_1176, %add3A_1178 : vector<16xf32>
      %mul3A_1180 = arith.mulf %add3A_1179, %add3A_1169 : vector<16xf32>
      %add3A_1181 = arith.constant 2.23577976 : f32
      %add3A_1182 = vector.broadcast %add3A_1181 : f32 to vector<16xf32>
      %add3A_1183 = arith.addf %mul3A_1180, %add3A_1182 : vector<16xf32>
      %mul3A_1184 = arith.mulf %add3A_1183, %add3A_1169 : vector<16xf32>
      %add3A_1185 = arith.constant -1.52127302 : f32
      %add3A_1186 = vector.broadcast %add3A_1185 : f32 to vector<16xf32>
      %add3A_1187 = arith.addf %mul3A_1184, %add3A_1186 : vector<16xf32>
      %add3A_1188 = arith.addf %max3A_1161, %add3A_1187 : vector<16xf32>
      %add3A_1189 = arith.addf %add3A_1188, %gather3A_1158 : vector<16xf32>
      scf.yield %add3A_1077, %add3A_1101, %add3A_1125, %add3A_1157, %add3A_1189 : vector<16xf32>, vector<16xf32>, vector<16xf32>, vector<16xf32>, vector<16xf32>
    }
    %while3A_621 = arith.constant 1 : i32
    %while3A_622:5 = scf.for %while3A_864 = %while3A_618 to %while3A_614 step %while3A_621 iter_args(%while3A_865 = %while3A_620#0, %while3A_866 = %while3A_620#1, %while3A_867 = %while3A_620#2, %while3A_868 = %while3A_620#3, %while3A_869 = %while3A_620#4) -> (vector<16xf32>, vector<16xf32>, vector<16xf32>, vector<16xf32>, vector<16xf32>)  : i32 {
      %mul3A_870 = arith.constant 2 : i32
      %mul3A_871 = arith.muli %mul3A_870, %while3A_864 : i32
      %add3A_872 = arith.constant 1 : i32
      %add3A_873 = arith.addi %add3A_872, %mul3A_871 : i32
      %add3A_874 = arith.constant 1 : i32
      %add3A_875 = arith.addi %add3A_873, %add3A_874 : i32
      %broadcast_in_dim3A_876 = vector.broadcast %add3A_873 : i32 to vector<16xi32>
      %gather3A_877 = tpu.vector_load_idx %arg8[%broadcast_in_dim3A_876, %broadcast_in_dim3A_1] : memref<512x128xf32, #tpu.memory_space<vmem>>[vector<16xi32>, vector<16xi32>], vector<16xf32>,
      %masked_sort3A_878 = arith.constant dense<true> : vector<16xi1>
      %masked_sort3A_879 = arith.constant -2147483648 : i32
      %masked_sort3A_880 = vector.broadcast %masked_sort3A_879 : i32 to vector<16xi32>
      %masked_sort3A_881 = arith.xori %and3A_557, %masked_sort3A_880 : vector<16xi32>
      %masked_sort3A_882, %masked_sort3A_883, %masked_sort3A_884 = tpu.sort %masked_sort3A_881, %while3A_868 masked %masked_sort3A_878 : (vector<16xi32>, vector<16xf32>, vector<16xi1>) -> (vector<16xi1>, vector<16xi32>, vector<16xf32>)
      %masked_sort3A_885 = arith.xori %masked_sort3A_883, %masked_sort3A_880 : vector<16xi32>
      %masked_sort3A_886 = arith.constant dense<true> : vector<16xi1>
      %masked_sort3A_887 = arith.constant -2147483648 : i32
      %masked_sort3A_888 = vector.broadcast %masked_sort3A_887 : i32 to vector<16xi32>
      %masked_sort3A_889 = arith.xori %and3A_557, %masked_sort3A_888 : vector<16xi32>
      %masked_sort3A_890, %masked_sort3A_891, %masked_sort3A_892 = tpu.sort %masked_sort3A_889, %while3A_869 masked %masked_sort3A_886 : (vector<16xi32>, vector<16xf32>, vector<16xi1>) -> (vector<16xi1>, vector<16xi32>, vector<16xf32>)
      %masked_sort3A_893 = arith.xori %masked_sort3A_891, %masked_sort3A_888 : vector<16xi32>
      %select_n3A_894 = arith.select %eq3A_560, %broadcast_in_dim3A_3, %masked_sort3A_884 : vector<16xi1>, vector<16xf32>
      %select_n3A_895 = arith.select %eq3A_560, %masked_sort3A_884, %masked_sort3A_892 : vector<16xi1>, vector<16xf32>
      %select_n3A_896 = arith.select %eq3A_560, %masked_sort3A_892, %broadcast_in_dim3A_3 : vector<16xi1>, vector<16xf32>
      %max3A_897 = arith.maximumf %while3A_865, %select_n3A_894 : vector<16xf32>
      %min3A_898 = arith.minimumf %while3A_865, %select_n3A_894 : vector<16xf32>
      %sub3A_899 = arith.subf %min3A_898, %max3A_897 : vector<16xf32>
      %exp3A_900 = math.exp %sub3A_899 : vector<16xf32>
      %mul3A_901 = arith.constant -0.0543709323 : f32
      %mul3A_902 = vector.broadcast %mul3A_901 : f32 to vector<16xf32>
      %mul3A_903 = arith.mulf %exp3A_900, %mul3A_902 : vector<16xf32>
      %add3A_904 = arith.constant 0.216448709 : f32
      %add3A_905 = vector.broadcast %add3A_904 : f32 to vector<16xf32>
      %add3A_906 = arith.addf %mul3A_903, %add3A_905 : vector<16xf32>
      %mul3A_907 = arith.mulf %add3A_906, %exp3A_900 : vector<16xf32>
      %add3A_908 = arith.constant -0.465020448 : f32
      %add3A_909 = vector.broadcast %add3A_908 : f32 to vector<16xf32>
      %add3A_910 = arith.addf %mul3A_907, %add3A_909 : vector<16xf32>
      %mul3A_911 = arith.mulf %add3A_910, %exp3A_900 : vector<16xf32>
      %add3A_912 = arith.constant 0.995965778 : f32
      %add3A_913 = vector.broadcast %add3A_912 : f32 to vector<16xf32>
      %add3A_914 = arith.addf %mul3A_911, %add3A_913 : vector<16xf32>
      %mul3A_915 = arith.mulf %add3A_914, %exp3A_900 : vector<16xf32>
      %add3A_916 = arith.constant 7.94207735E-5 : f32
      %add3A_917 = vector.broadcast %add3A_916 : f32 to vector<16xf32>
      %add3A_918 = arith.addf %mul3A_915, %add3A_917 : vector<16xf32>
      %add3A_919 = arith.addf %max3A_897, %add3A_918 : vector<16xf32>
      %add3A_920 = arith.addf %add3A_919, %gather3A_877 : vector<16xf32>
      %max3A_921 = arith.maximumf %while3A_866, %select_n3A_895 : vector<16xf32>
      %min3A_922 = arith.minimumf %while3A_866, %select_n3A_895 : vector<16xf32>
      %sub3A_923 = arith.subf %min3A_922, %max3A_921 : vector<16xf32>
      %exp3A_924 = math.exp %sub3A_923 : vector<16xf32>
      %mul3A_925 = arith.constant -0.0543709323 : f32
      %mul3A_926 = vector.broadcast %mul3A_925 : f32 to vector<16xf32>
      %mul3A_927 = arith.mulf %exp3A_924, %mul3A_926 : vector<16xf32>
      %add3A_928 = arith.constant 0.216448709 : f32
      %add3A_929 = vector.broadcast %add3A_928 : f32 to vector<16xf32>
      %add3A_930 = arith.addf %mul3A_927, %add3A_929 : vector<16xf32>
      %mul3A_931 = arith.mulf %add3A_930, %exp3A_924 : vector<16xf32>
      %add3A_932 = arith.constant -0.465020448 : f32
      %add3A_933 = vector.broadcast %add3A_932 : f32 to vector<16xf32>
      %add3A_934 = arith.addf %mul3A_931, %add3A_933 : vector<16xf32>
      %mul3A_935 = arith.mulf %add3A_934, %exp3A_924 : vector<16xf32>
      %add3A_936 = arith.constant 0.995965778 : f32
      %add3A_937 = vector.broadcast %add3A_936 : f32 to vector<16xf32>
      %add3A_938 = arith.addf %mul3A_935, %add3A_937 : vector<16xf32>
      %mul3A_939 = arith.mulf %add3A_938, %exp3A_924 : vector<16xf32>
      %add3A_940 = arith.constant 7.94207735E-5 : f32
      %add3A_941 = vector.broadcast %add3A_940 : f32 to vector<16xf32>
      %add3A_942 = arith.addf %mul3A_939, %add3A_941 : vector<16xf32>
      %add3A_943 = arith.addf %max3A_921, %add3A_942 : vector<16xf32>
      %add3A_944 = arith.addf %add3A_943, %gather3A_877 : vector<16xf32>
      %max3A_945 = arith.maximumf %while3A_867, %select_n3A_896 : vector<16xf32>
      %min3A_946 = arith.minimumf %while3A_867, %select_n3A_896 : vector<16xf32>
      %sub3A_947 = arith.subf %min3A_946, %max3A_945 : vector<16xf32>
      %exp3A_948 = math.exp %sub3A_947 : vector<16xf32>
      %mul3A_949 = arith.constant -0.0543709323 : f32
      %mul3A_950 = vector.broadcast %mul3A_949 : f32 to vector<16xf32>
      %mul3A_951 = arith.mulf %exp3A_948, %mul3A_950 : vector<16xf32>
      %add3A_952 = arith.constant 0.216448709 : f32
      %add3A_953 = vector.broadcast %add3A_952 : f32 to vector<16xf32>
      %add3A_954 = arith.addf %mul3A_951, %add3A_953 : vector<16xf32>
      %mul3A_955 = arith.mulf %add3A_954, %exp3A_948 : vector<16xf32>
      %add3A_956 = arith.constant -0.465020448 : f32
      %add3A_957 = vector.broadcast %add3A_956 : f32 to vector<16xf32>
      %add3A_958 = arith.addf %mul3A_955, %add3A_957 : vector<16xf32>
      %mul3A_959 = arith.mulf %add3A_958, %exp3A_948 : vector<16xf32>
      %add3A_960 = arith.constant 0.995965778 : f32
      %add3A_961 = vector.broadcast %add3A_960 : f32 to vector<16xf32>
      %add3A_962 = arith.addf %mul3A_959, %add3A_961 : vector<16xf32>
      %mul3A_963 = arith.mulf %add3A_962, %exp3A_948 : vector<16xf32>
      %add3A_964 = arith.constant 7.94207735E-5 : f32
      %add3A_965 = vector.broadcast %add3A_964 : f32 to vector<16xf32>
      %add3A_966 = arith.addf %mul3A_963, %add3A_965 : vector<16xf32>
      %add3A_967 = arith.addf %max3A_945, %add3A_966 : vector<16xf32>
      %add3A_968 = arith.addf %add3A_967, %gather3A_877 : vector<16xf32>
      %gather3A_969 = tpu.vector_load_idx %arg8[%broadcast_in_dim3A_876, %select_n3A_480] : memref<512x128xf32, #tpu.memory_space<vmem>>[vector<16xi32>, vector<16xi32>], vector<16xf32>,
      %select_n3A_970 = arith.select %and3A, %select_n3A_894, %broadcast_in_dim3A_3 : vector<16xi1>, vector<16xf32>
      %max3A_971 = arith.maximumf %while3A_868, %while3A_865 : vector<16xf32>
      %max3A_972 = arith.maximumf %max3A_971, %select_n3A_970 : vector<16xf32>
      %sub3A_973 = arith.subf %while3A_868, %max3A_972 : vector<16xf32>
      %exp3A_974 = math.exp %sub3A_973 : vector<16xf32>
      %sub3A_975 = arith.subf %while3A_865, %max3A_972 : vector<16xf32>
      %exp3A_976 = math.exp %sub3A_975 : vector<16xf32>
      %add3A_977 = arith.addf %exp3A_974, %exp3A_976 : vector<16xf32>
      %sub3A_978 = arith.subf %select_n3A_970, %max3A_972 : vector<16xf32>
      %exp3A_979 = math.exp %sub3A_978 : vector<16xf32>
      %add3A_980 = arith.addf %add3A_977, %exp3A_979 : vector<16xf32>
      %mul3A_981 = arith.constant -0.01963217 : f32
      %mul3A_982 = vector.broadcast %mul3A_981 : f32 to vector<16xf32>
      %mul3A_983 = arith.mulf %add3A_980, %mul3A_982 : vector<16xf32>
      %add3A_984 = arith.constant 0.208245039 : f32
      %add3A_985 = vector.broadcast %add3A_984 : f32 to vector<16xf32>
      %add3A_986 = arith.addf %mul3A_983, %add3A_985 : vector<16xf32>
      %mul3A_987 = arith.mulf %add3A_986, %add3A_980 : vector<16xf32>
      %add3A_988 = arith.constant -0.902246177 : f32
      %add3A_989 = vector.broadcast %add3A_988 : f32 to vector<16xf32>
      %add3A_990 = arith.addf %mul3A_987, %add3A_989 : vector<16xf32>
      %mul3A_991 = arith.mulf %add3A_990, %add3A_980 : vector<16xf32>
      %add3A_992 = arith.constant 2.23577976 : f32
      %add3A_993 = vector.broadcast %add3A_992 : f32 to vector<16xf32>
      %add3A_994 = arith.addf %mul3A_991, %add3A_993 : vector<16xf32>
      %mul3A_995 = arith.mulf %add3A_994, %add3A_980 : vector<16xf32>
      %add3A_996 = arith.constant -1.52127302 : f32
      %add3A_997 = vector.broadcast %add3A_996 : f32 to vector<16xf32>
      %add3A_998 = arith.addf %mul3A_995, %add3A_997 : vector<16xf32>
      %add3A_999 = arith.addf %max3A_972, %add3A_998 : vector<16xf32>
      %add3A_1000 = arith.addf %add3A_999, %gather3A_969 : vector<16xf32>
      %gather3A_1001 = tpu.vector_load_idx %arg8[%broadcast_in_dim3A_876, %select_n3A_499] : memref<512x128xf32, #tpu.memory_space<vmem>>[vector<16xi32>, vector<16xi32>], vector<16xf32>,
      %select_n3A_1002 = arith.select %and3A_514, %select_n3A_895, %broadcast_in_dim3A_3 : vector<16xi1>, vector<16xf32>
      %max3A_1003 = arith.maximumf %while3A_869, %while3A_866 : vector<16xf32>
      %max3A_1004 = arith.maximumf %max3A_1003, %select_n3A_1002 : vector<16xf32>
      %sub3A_1005 = arith.subf %while3A_869, %max3A_1004 : vector<16xf32>
      %exp3A_1006 = math.exp %sub3A_1005 : vector<16xf32>
      %sub3A_1007 = arith.subf %while3A_866, %max3A_1004 : vector<16xf32>
      %exp3A_1008 = math.exp %sub3A_1007 : vector<16xf32>
      %add3A_1009 = arith.addf %exp3A_1006, %exp3A_1008 : vector<16xf32>
      %sub3A_1010 = arith.subf %select_n3A_1002, %max3A_1004 : vector<16xf32>
      %exp3A_1011 = math.exp %sub3A_1010 : vector<16xf32>
      %add3A_1012 = arith.addf %add3A_1009, %exp3A_1011 : vector<16xf32>
      %mul3A_1013 = arith.constant -0.01963217 : f32
      %mul3A_1014 = vector.broadcast %mul3A_1013 : f32 to vector<16xf32>
      %mul3A_1015 = arith.mulf %add3A_1012, %mul3A_1014 : vector<16xf32>
      %add3A_1016 = arith.constant 0.208245039 : f32
      %add3A_1017 = vector.broadcast %add3A_1016 : f32 to vector<16xf32>
      %add3A_1018 = arith.addf %mul3A_1015, %add3A_1017 : vector<16xf32>
      %mul3A_1019 = arith.mulf %add3A_1018, %add3A_1012 : vector<16xf32>
      %add3A_1020 = arith.constant -0.902246177 : f32
      %add3A_1021 = vector.broadcast %add3A_1020 : f32 to vector<16xf32>
      %add3A_1022 = arith.addf %mul3A_1019, %add3A_1021 : vector<16xf32>
      %mul3A_1023 = arith.mulf %add3A_1022, %add3A_1012 : vector<16xf32>
      %add3A_1024 = arith.constant 2.23577976 : f32
      %add3A_1025 = vector.broadcast %add3A_1024 : f32 to vector<16xf32>
      %add3A_1026 = arith.addf %mul3A_1023, %add3A_1025 : vector<16xf32>
      %mul3A_1027 = arith.mulf %add3A_1026, %add3A_1012 : vector<16xf32>
      %add3A_1028 = arith.constant -1.52127302 : f32
      %add3A_1029 = vector.broadcast %add3A_1028 : f32 to vector<16xf32>
      %add3A_1030 = arith.addf %mul3A_1027, %add3A_1029 : vector<16xf32>
      %add3A_1031 = arith.addf %max3A_1004, %add3A_1030 : vector<16xf32>
      %add3A_1032 = arith.addf %add3A_1031, %gather3A_1001 : vector<16xf32>
      %broadcast_in_dim3A_1033 = vector.broadcast %add3A_875 : i32 to vector<16xi32>
      %gather3A_1034 = tpu.vector_load_idx %arg8[%broadcast_in_dim3A_1033, %broadcast_in_dim3A_1] : memref<512x128xf32, #tpu.memory_space<vmem>>[vector<16xi32>, vector<16xi32>], vector<16xf32>,
      %masked_sort3A_1035 = arith.constant dense<true> : vector<16xi1>
      %masked_sort3A_1036 = arith.constant -2147483648 : i32
      %masked_sort3A_1037 = vector.broadcast %masked_sort3A_1036 : i32 to vector<16xi32>
      %masked_sort3A_1038 = arith.xori %and3A_557, %masked_sort3A_1037 : vector<16xi32>
      %masked_sort3A_1039, %masked_sort3A_1040, %masked_sort3A_1041 = tpu.sort %masked_sort3A_1038, %add3A_1000 masked %masked_sort3A_1035 : (vector<16xi32>, vector<16xf32>, vector<16xi1>) -> (vector<16xi1>, vector<16xi32>, vector<16xf32>)
      %masked_sort3A_1042 = arith.xori %masked_sort3A_1040, %masked_sort3A_1037 : vector<16xi32>
      %masked_sort3A_1043 = arith.constant dense<true> : vector<16xi1>
      %masked_sort3A_1044 = arith.constant -2147483648 : i32
      %masked_sort3A_1045 = vector.broadcast %masked_sort3A_1044 : i32 to vector<16xi32>
      %masked_sort3A_1046 = arith.xori %and3A_557, %masked_sort3A_1045 : vector<16xi32>
      %masked_sort3A_1047, %masked_sort3A_1048, %masked_sort3A_1049 = tpu.sort %masked_sort3A_1046, %add3A_1032 masked %masked_sort3A_1043 : (vector<16xi32>, vector<16xf32>, vector<16xi1>) -> (vector<16xi1>, vector<16xi32>, vector<16xf32>)
      %masked_sort3A_1050 = arith.xori %masked_sort3A_1048, %masked_sort3A_1045 : vector<16xi32>
      %select_n3A_1051 = arith.select %eq3A_560, %broadcast_in_dim3A_3, %masked_sort3A_1041 : vector<16xi1>, vector<16xf32>
      %select_n3A_1052 = arith.select %eq3A_560, %masked_sort3A_1041, %masked_sort3A_1049 : vector<16xi1>, vector<16xf32>
      %select_n3A_1053 = arith.select %eq3A_560, %masked_sort3A_1049, %broadcast_in_dim3A_3 : vector<16xi1>, vector<16xf32>
      %max3A_1054 = arith.maximumf %add3A_920, %select_n3A_1051 : vector<16xf32>
      %min3A_1055 = arith.minimumf %add3A_920, %select_n3A_1051 : vector<16xf32>
      %sub3A_1056 = arith.subf %min3A_1055, %max3A_1054 : vector<16xf32>
      %exp3A_1057 = math.exp %sub3A_1056 : vector<16xf32>
      %mul3A_1058 = arith.constant -0.0543709323 : f32
      %mul3A_1059 = vector.broadcast %mul3A_1058 : f32 to vector<16xf32>
      %mul3A_1060 = arith.mulf %exp3A_1057, %mul3A_1059 : vector<16xf32>
      %add3A_1061 = arith.constant 0.216448709 : f32
      %add3A_1062 = vector.broadcast %add3A_1061 : f32 to vector<16xf32>
      %add3A_1063 = arith.addf %mul3A_1060, %add3A_1062 : vector<16xf32>
      %mul3A_1064 = arith.mulf %add3A_1063, %exp3A_1057 : vector<16xf32>
      %add3A_1065 = arith.constant -0.465020448 : f32
      %add3A_1066 = vector.broadcast %add3A_1065 : f32 to vector<16xf32>
      %add3A_1067 = arith.addf %mul3A_1064, %add3A_1066 : vector<16xf32>
      %mul3A_1068 = arith.mulf %add3A_1067, %exp3A_1057 : vector<16xf32>
      %add3A_1069 = arith.constant 0.995965778 : f32
      %add3A_1070 = vector.broadcast %add3A_1069 : f32 to vector<16xf32>
      %add3A_1071 = arith.addf %mul3A_1068, %add3A_1070 : vector<16xf32>
      %mul3A_1072 = arith.mulf %add3A_1071, %exp3A_1057 : vector<16xf32>
      %add3A_1073 = arith.constant 7.94207735E-5 : f32
      %add3A_1074 = vector.broadcast %add3A_1073 : f32 to vector<16xf32>
      %add3A_1075 = arith.addf %mul3A_1072, %add3A_1074 : vector<16xf32>
      %add3A_1076 = arith.addf %max3A_1054, %add3A_1075 : vector<16xf32>
      %add3A_1077 = arith.addf %add3A_1076, %gather3A_1034 : vector<16xf32>
      %max3A_1078 = arith.maximumf %add3A_944, %select_n3A_1052 : vector<16xf32>
      %min3A_1079 = arith.minimumf %add3A_944, %select_n3A_1052 : vector<16xf32>
      %sub3A_1080 = arith.subf %min3A_1079, %max3A_1078 : vector<16xf32>
      %exp3A_1081 = math.exp %sub3A_1080 : vector<16xf32>
      %mul3A_1082 = arith.constant -0.0543709323 : f32
      %mul3A_1083 = vector.broadcast %mul3A_1082 : f32 to vector<16xf32>
      %mul3A_1084 = arith.mulf %exp3A_1081, %mul3A_1083 : vector<16xf32>
      %add3A_1085 = arith.constant 0.216448709 : f32
      %add3A_1086 = vector.broadcast %add3A_1085 : f32 to vector<16xf32>
      %add3A_1087 = arith.addf %mul3A_1084, %add3A_1086 : vector<16xf32>
      %mul3A_1088 = arith.mulf %add3A_1087, %exp3A_1081 : vector<16xf32>
      %add3A_1089 = arith.constant -0.465020448 : f32
      %add3A_1090 = vector.broadcast %add3A_1089 : f32 to vector<16xf32>
      %add3A_1091 = arith.addf %mul3A_1088, %add3A_1090 : vector<16xf32>
      %mul3A_1092 = arith.mulf %add3A_1091, %exp3A_1081 : vector<16xf32>
      %add3A_1093 = arith.constant 0.995965778 : f32
      %add3A_1094 = vector.broadcast %add3A_1093 : f32 to vector<16xf32>
      %add3A_1095 = arith.addf %mul3A_1092, %add3A_1094 : vector<16xf32>
      %mul3A_1096 = arith.mulf %add3A_1095, %exp3A_1081 : vector<16xf32>
      %add3A_1097 = arith.constant 7.94207735E-5 : f32
      %add3A_1098 = vector.broadcast %add3A_1097 : f32 to vector<16xf32>
      %add3A_1099 = arith.addf %mul3A_1096, %add3A_1098 : vector<16xf32>
      %add3A_1100 = arith.addf %max3A_1078, %add3A_1099 : vector<16xf32>
      %add3A_1101 = arith.addf %add3A_1100, %gather3A_1034 : vector<16xf32>
      %max3A_1102 = arith.maximumf %add3A_968, %select_n3A_1053 : vector<16xf32>
      %min3A_1103 = arith.minimumf %add3A_968, %select_n3A_1053 : vector<16xf32>
      %sub3A_1104 = arith.subf %min3A_1103, %max3A_1102 : vector<16xf32>
      %exp3A_1105 = math.exp %sub3A_1104 : vector<16xf32>
      %mul3A_1106 = arith.constant -0.0543709323 : f32
      %mul3A_1107 = vector.broadcast %mul3A_1106 : f32 to vector<16xf32>
      %mul3A_1108 = arith.mulf %exp3A_1105, %mul3A_1107 : vector<16xf32>
      %add3A_1109 = arith.constant 0.216448709 : f32
      %add3A_1110 = vector.broadcast %add3A_1109 : f32 to vector<16xf32>
      %add3A_1111 = arith.addf %mul3A_1108, %add3A_1110 : vector<16xf32>
      %mul3A_1112 = arith.mulf %add3A_1111, %exp3A_1105 : vector<16xf32>
      %add3A_1113 = arith.constant -0.465020448 : f32
      %add3A_1114 = vector.broadcast %add3A_1113 : f32 to vector<16xf32>
      %add3A_1115 = arith.addf %mul3A_1112, %add3A_1114 : vector<16xf32>
      %mul3A_1116 = arith.mulf %add3A_1115, %exp3A_1105 : vector<16xf32>
      %add3A_1117 = arith.constant 0.995965778 : f32
      %add3A_1118 = vector.broadcast %add3A_1117 : f32 to vector<16xf32>
      %add3A_1119 = arith.addf %mul3A_1116, %add3A_1118 : vector<16xf32>
      %mul3A_1120 = arith.mulf %add3A_1119, %exp3A_1105 : vector<16xf32>
      %add3A_1121 = arith.constant 7.94207735E-5 : f32
      %add3A_1122 = vector.broadcast %add3A_1121 : f32 to vector<16xf32>
      %add3A_1123 = arith.addf %mul3A_1120, %add3A_1122 : vector<16xf32>
      %add3A_1124 = arith.addf %max3A_1102, %add3A_1123 : vector<16xf32>
      %add3A_1125 = arith.addf %add3A_1124, %gather3A_1034 : vector<16xf32>
      %gather3A_1126 = tpu.vector_load_idx %arg8[%broadcast_in_dim3A_1033, %select_n3A_480] : memref<512x128xf32, #tpu.memory_space<vmem>>[vector<16xi32>, vector<16xi32>], vector<16xf32>,
      %select_n3A_1127 = arith.select %and3A, %select_n3A_1051, %broadcast_in_dim3A_3 : vector<16xi1>, vector<16xf32>
      %max3A_1128 = arith.maximumf %add3A_1000, %add3A_920 : vector<16xf32>
      %max3A_1129 = arith.maximumf %max3A_1128, %select_n3A_1127 : vector<16xf32>
      %sub3A_1130 = arith.subf %add3A_1000, %max3A_1129 : vector<16xf32>
      %exp3A_1131 = math.exp %sub3A_1130 : vector<16xf32>
      %sub3A_1132 = arith.subf %add3A_920, %max3A_1129 : vector<16xf32>
      %exp3A_1133 = math.exp %sub3A_1132 : vector<16xf32>
      %add3A_1134 = arith.addf %exp3A_1131, %exp3A_1133 : vector<16xf32>
      %sub3A_1135 = arith.subf %select_n3A_1127, %max3A_1129 : vector<16xf32>
      %exp3A_1136 = math.exp %sub3A_1135 : vector<16xf32>
      %add3A_1137 = arith.addf %add3A_1134, %exp3A_1136 : vector<16xf32>
      %mul3A_1138 = arith.constant -0.01963217 : f32
      %mul3A_1139 = vector.broadcast %mul3A_1138 : f32 to vector<16xf32>
      %mul3A_1140 = arith.mulf %add3A_1137, %mul3A_1139 : vector<16xf32>
      %add3A_1141 = arith.constant 0.208245039 : f32
      %add3A_1142 = vector.broadcast %add3A_1141 : f32 to vector<16xf32>
      %add3A_1143 = arith.addf %mul3A_1140, %add3A_1142 : vector<16xf32>
      %mul3A_1144 = arith.mulf %add3A_1143, %add3A_1137 : vector<16xf32>
      %add3A_1145 = arith.constant -0.902246177 : f32
      %add3A_1146 = vector.broadcast %add3A_1145 : f32 to vector<16xf32>
      %add3A_1147 = arith.addf %mul3A_1144, %add3A_1146 : vector<16xf32>
      %mul3A_1148 = arith.mulf %add3A_1147, %add3A_1137 : vector<16xf32>
      %add3A_1149 = arith.constant 2.23577976 : f32
      %add3A_1150 = vector.broadcast %add3A_1149 : f32 to vector<16xf32>
      %add3A_1151 = arith.addf %mul3A_1148, %add3A_1150 : vector<16xf32>
      %mul3A_1152 = arith.mulf %add3A_1151, %add3A_1137 : vector<16xf32>
      %add3A_1153 = arith.constant -1.52127302 : f32
      %add3A_1154 = vector.broadcast %add3A_1153 : f32 to vector<16xf32>
      %add3A_1155 = arith.addf %mul3A_1152, %add3A_1154 : vector<16xf32>
      %add3A_1156 = arith.addf %max3A_1129, %add3A_1155 : vector<16xf32>
      %add3A_1157 = arith.addf %add3A_1156, %gather3A_1126 : vector<16xf32>
      %gather3A_1158 = tpu.vector_load_idx %arg8[%broadcast_in_dim3A_1033, %select_n3A_499] : memref<512x128xf32, #tpu.memory_space<vmem>>[vector<16xi32>, vector<16xi32>], vector<16xf32>,
      %select_n3A_1159 = arith.select %and3A_514, %select_n3A_1052, %broadcast_in_dim3A_3 : vector<16xi1>, vector<16xf32>
      %max3A_1160 = arith.maximumf %add3A_1032, %add3A_944 : vector<16xf32>
      %max3A_1161 = arith.maximumf %max3A_1160, %select_n3A_1159 : vector<16xf32>
      %sub3A_1162 = arith.subf %add3A_1032, %max3A_1161 : vector<16xf32>
      %exp3A_1163 = math.exp %sub3A_1162 : vector<16xf32>
      %sub3A_1164 = arith.subf %add3A_944, %max3A_1161 : vector<16xf32>
      %exp3A_1165 = math.exp %sub3A_1164 : vector<16xf32>
      %add3A_1166 = arith.addf %exp3A_1163, %exp3A_1165 : vector<16xf32>
      %sub3A_1167 = arith.subf %select_n3A_1159, %max3A_1161 : vector<16xf32>
      %exp3A_1168 = math.exp %sub3A_1167 : vector<16xf32>
      %add3A_1169 = arith.addf %add3A_1166, %exp3A_1168 : vector<16xf32>
      %mul3A_1170 = arith.constant -0.01963217 : f32
      %mul3A_1171 = vector.broadcast %mul3A_1170 : f32 to vector<16xf32>
      %mul3A_1172 = arith.mulf %add3A_1169, %mul3A_1171 : vector<16xf32>
      %add3A_1173 = arith.constant 0.208245039 : f32
      %add3A_1174 = vector.broadcast %add3A_1173 : f32 to vector<16xf32>
      %add3A_1175 = arith.addf %mul3A_1172, %add3A_1174 : vector<16xf32>
      %mul3A_1176 = arith.mulf %add3A_1175, %add3A_1169 : vector<16xf32>
      %add3A_1177 = arith.constant -0.902246177 : f32
      %add3A_1178 = vector.broadcast %add3A_1177 : f32 to vector<16xf32>
      %add3A_1179 = arith.addf %mul3A_1176, %add3A_1178 : vector<16xf32>
      %mul3A_1180 = arith.mulf %add3A_1179, %add3A_1169 : vector<16xf32>
      %add3A_1181 = arith.constant 2.23577976 : f32
      %add3A_1182 = vector.broadcast %add3A_1181 : f32 to vector<16xf32>
      %add3A_1183 = arith.addf %mul3A_1180, %add3A_1182 : vector<16xf32>
      %mul3A_1184 = arith.mulf %add3A_1183, %add3A_1169 : vector<16xf32>
      %add3A_1185 = arith.constant -1.52127302 : f32
      %add3A_1186 = vector.broadcast %add3A_1185 : f32 to vector<16xf32>
      %add3A_1187 = arith.addf %mul3A_1184, %add3A_1186 : vector<16xf32>
      %add3A_1188 = arith.addf %max3A_1161, %add3A_1187 : vector<16xf32>
      %add3A_1189 = arith.addf %add3A_1188, %gather3A_1158 : vector<16xf32>
      scf.yield %add3A_1077, %add3A_1101, %add3A_1125, %add3A_1157, %add3A_1189 : vector<16xf32>, vector<16xf32>, vector<16xf32>, vector<16xf32>, vector<16xf32>
    }
    %mul3A_623 = arith.constant 2 : i32
    %mul3A_624 = arith.muli %mul3A_623, %select_n3A_612 : i32
    %add3A_625 = arith.constant 1 : i32
    %add3A_626 = arith.addi %add3A_625, %mul3A_624 : i32
    %broadcast_in_dim3A_627 = vector.broadcast %add3A_626 : i32 to vector<16xi32>
    %gather3A_628 = tpu.vector_load_idx %arg8[%broadcast_in_dim3A_627, %broadcast_in_dim3A_1] : memref<512x128xf32, #tpu.memory_space<vmem>>[vector<16xi32>, vector<16xi32>], vector<16xf32>,
    %masked_sort3A = arith.constant dense<true> : vector<16xi1>
    %masked_sort3A_629 = arith.constant -2147483648 : i32
    %masked_sort3A_630 = vector.broadcast %masked_sort3A_629 : i32 to vector<16xi32>
    %masked_sort3A_631 = arith.xori %and3A_557, %masked_sort3A_630 : vector<16xi32>
    %masked_sort3A_632, %masked_sort3A_633, %masked_sort3A_634 = tpu.sort %masked_sort3A_631, %while3A_622#3 masked %masked_sort3A : (vector<16xi32>, vector<16xf32>, vector<16xi1>) -> (vector<16xi1>, vector<16xi32>, vector<16xf32>)
    %masked_sort3A_635 = arith.xori %masked_sort3A_633, %masked_sort3A_630 : vector<16xi32>
    %masked_sort3A_636 = arith.constant dense<true> : vector<16xi1>
    %masked_sort3A_637 = arith.constant -2147483648 : i32
    %masked_sort3A_638 = vector.broadcast %masked_sort3A_637 : i32 to vector<16xi32>
    %masked_sort3A_639 = arith.xori %and3A_557, %masked_sort3A_638 : vector<16xi32>
    %masked_sort3A_640, %masked_sort3A_641, %masked_sort3A_642 = tpu.sort %masked_sort3A_639, %while3A_622#4 masked %masked_sort3A_636 : (vector<16xi32>, vector<16xf32>, vector<16xi1>) -> (vector<16xi1>, vector<16xi32>, vector<16xf32>)
    %masked_sort3A_643 = arith.xori %masked_sort3A_641, %masked_sort3A_638 : vector<16xi32>
    %select_n3A_644 = arith.select %eq3A_560, %broadcast_in_dim3A_3, %masked_sort3A_634 : vector<16xi1>, vector<16xf32>
    %select_n3A_645 = arith.select %eq3A_560, %masked_sort3A_634, %masked_sort3A_642 : vector<16xi1>, vector<16xf32>
    %select_n3A_646 = arith.select %eq3A_560, %masked_sort3A_642, %broadcast_in_dim3A_3 : vector<16xi1>, vector<16xf32>
    %max3A_647 = arith.maximumf %while3A_622#0, %select_n3A_644 : vector<16xf32>
    %min3A_648 = arith.minimumf %while3A_622#0, %select_n3A_644 : vector<16xf32>
    %sub3A_649 = arith.subf %min3A_648, %max3A_647 : vector<16xf32>
    %exp3A = math.exp %sub3A_649 : vector<16xf32>
    %mul3A_650 = arith.constant -0.0543709323 : f32
    %mul3A_651 = vector.broadcast %mul3A_650 : f32 to vector<16xf32>
    %mul3A_652 = arith.mulf %exp3A, %mul3A_651 : vector<16xf32>
    %add3A_653 = arith.constant 0.216448709 : f32
    %add3A_654 = vector.broadcast %add3A_653 : f32 to vector<16xf32>
    %add3A_655 = arith.addf %mul3A_652, %add3A_654 : vector<16xf32>
    %mul3A_656 = arith.mulf %add3A_655, %exp3A : vector<16xf32>
    %add3A_657 = arith.constant -0.465020448 : f32
    %add3A_658 = vector.broadcast %add3A_657 : f32 to vector<16xf32>
    %add3A_659 = arith.addf %mul3A_656, %add3A_658 : vector<16xf32>
    %mul3A_660 = arith.mulf %add3A_659, %exp3A : vector<16xf32>
    %add3A_661 = arith.constant 0.995965778 : f32
    %add3A_662 = vector.broadcast %add3A_661 : f32 to vector<16xf32>
    %add3A_663 = arith.addf %mul3A_660, %add3A_662 : vector<16xf32>
    %mul3A_664 = arith.mulf %add3A_663, %exp3A : vector<16xf32>
    %add3A_665 = arith.constant 7.94207735E-5 : f32
    %add3A_666 = vector.broadcast %add3A_665 : f32 to vector<16xf32>
    %add3A_667 = arith.addf %mul3A_664, %add3A_666 : vector<16xf32>
    %add3A_668 = arith.addf %max3A_647, %add3A_667 : vector<16xf32>
    %add3A_669 = arith.addf %add3A_668, %gather3A_628 : vector<16xf32>
    %max3A_670 = arith.maximumf %while3A_622#1, %select_n3A_645 : vector<16xf32>
    %min3A_671 = arith.minimumf %while3A_622#1, %select_n3A_645 : vector<16xf32>
    %sub3A_672 = arith.subf %min3A_671, %max3A_670 : vector<16xf32>
    %exp3A_673 = math.exp %sub3A_672 : vector<16xf32>
    %mul3A_674 = arith.constant -0.0543709323 : f32
    %mul3A_675 = vector.broadcast %mul3A_674 : f32 to vector<16xf32>
    %mul3A_676 = arith.mulf %exp3A_673, %mul3A_675 : vector<16xf32>
    %add3A_677 = arith.constant 0.216448709 : f32
    %add3A_678 = vector.broadcast %add3A_677 : f32 to vector<16xf32>
    %add3A_679 = arith.addf %mul3A_676, %add3A_678 : vector<16xf32>
    %mul3A_680 = arith.mulf %add3A_679, %exp3A_673 : vector<16xf32>
    %add3A_681 = arith.constant -0.465020448 : f32
    %add3A_682 = vector.broadcast %add3A_681 : f32 to vector<16xf32>
    %add3A_683 = arith.addf %mul3A_680, %add3A_682 : vector<16xf32>
    %mul3A_684 = arith.mulf %add3A_683, %exp3A_673 : vector<16xf32>
    %add3A_685 = arith.constant 0.995965778 : f32
    %add3A_686 = vector.broadcast %add3A_685 : f32 to vector<16xf32>
    %add3A_687 = arith.addf %mul3A_684, %add3A_686 : vector<16xf32>
    %mul3A_688 = arith.mulf %add3A_687, %exp3A_673 : vector<16xf32>
    %add3A_689 = arith.constant 7.94207735E-5 : f32
    %add3A_690 = vector.broadcast %add3A_689 : f32 to vector<16xf32>
    %add3A_691 = arith.addf %mul3A_688, %add3A_690 : vector<16xf32>
    %add3A_692 = arith.addf %max3A_670, %add3A_691 : vector<16xf32>
    %add3A_693 = arith.addf %add3A_692, %gather3A_628 : vector<16xf32>
    %max3A_694 = arith.maximumf %while3A_622#2, %select_n3A_646 : vector<16xf32>
    %min3A_695 = arith.minimumf %while3A_622#2, %select_n3A_646 : vector<16xf32>
    %sub3A_696 = arith.subf %min3A_695, %max3A_694 : vector<16xf32>
    %exp3A_697 = math.exp %sub3A_696 : vector<16xf32>
    %mul3A_698 = arith.constant -0.0543709323 : f32
    %mul3A_699 = vector.broadcast %mul3A_698 : f32 to vector<16xf32>
    %mul3A_700 = arith.mulf %exp3A_697, %mul3A_699 : vector<16xf32>
    %add3A_701 = arith.constant 0.216448709 : f32
    %add3A_702 = vector.broadcast %add3A_701 : f32 to vector<16xf32>
    %add3A_703 = arith.addf %mul3A_700, %add3A_702 : vector<16xf32>
    %mul3A_704 = arith.mulf %add3A_703, %exp3A_697 : vector<16xf32>
    %add3A_705 = arith.constant -0.465020448 : f32
    %add3A_706 = vector.broadcast %add3A_705 : f32 to vector<16xf32>
    %add3A_707 = arith.addf %mul3A_704, %add3A_706 : vector<16xf32>
    %mul3A_708 = arith.mulf %add3A_707, %exp3A_697 : vector<16xf32>
    %add3A_709 = arith.constant 0.995965778 : f32
    %add3A_710 = vector.broadcast %add3A_709 : f32 to vector<16xf32>
    %add3A_711 = arith.addf %mul3A_708, %add3A_710 : vector<16xf32>
    %mul3A_712 = arith.mulf %add3A_711, %exp3A_697 : vector<16xf32>
    %add3A_713 = arith.constant 7.94207735E-5 : f32
    %add3A_714 = vector.broadcast %add3A_713 : f32 to vector<16xf32>
    %add3A_715 = arith.addf %mul3A_712, %add3A_714 : vector<16xf32>
    %add3A_716 = arith.addf %max3A_694, %add3A_715 : vector<16xf32>
    %add3A_717 = arith.addf %add3A_716, %gather3A_628 : vector<16xf32>
    %gather3A_718 = tpu.vector_load_idx %arg8[%broadcast_in_dim3A_627, %select_n3A_480] : memref<512x128xf32, #tpu.memory_space<vmem>>[vector<16xi32>, vector<16xi32>], vector<16xf32>,
    %select_n3A_719 = arith.select %and3A, %select_n3A_644, %broadcast_in_dim3A_3 : vector<16xi1>, vector<16xf32>
    %max3A_720 = arith.maximumf %while3A_622#3, %while3A_622#0 : vector<16xf32>
    %max3A_721 = arith.maximumf %max3A_720, %select_n3A_719 : vector<16xf32>
    %sub3A_722 = arith.subf %while3A_622#3, %max3A_721 : vector<16xf32>
    %exp3A_723 = math.exp %sub3A_722 : vector<16xf32>
    %sub3A_724 = arith.subf %while3A_622#0, %max3A_721 : vector<16xf32>
    %exp3A_725 = math.exp %sub3A_724 : vector<16xf32>
    %add3A_726 = arith.addf %exp3A_723, %exp3A_725 : vector<16xf32>
    %sub3A_727 = arith.subf %select_n3A_719, %max3A_721 : vector<16xf32>
    %exp3A_728 = math.exp %sub3A_727 : vector<16xf32>
    %add3A_729 = arith.addf %add3A_726, %exp3A_728 : vector<16xf32>
    %mul3A_730 = arith.constant -0.01963217 : f32
    %mul3A_731 = vector.broadcast %mul3A_730 : f32 to vector<16xf32>
    %mul3A_732 = arith.mulf %add3A_729, %mul3A_731 : vector<16xf32>
    %add3A_733 = arith.constant 0.208245039 : f32
    %add3A_734 = vector.broadcast %add3A_733 : f32 to vector<16xf32>
    %add3A_735 = arith.addf %mul3A_732, %add3A_734 : vector<16xf32>
    %mul3A_736 = arith.mulf %add3A_735, %add3A_729 : vector<16xf32>
    %add3A_737 = arith.constant -0.902246177 : f32
    %add3A_738 = vector.broadcast %add3A_737 : f32 to vector<16xf32>
    %add3A_739 = arith.addf %mul3A_736, %add3A_738 : vector<16xf32>
    %mul3A_740 = arith.mulf %add3A_739, %add3A_729 : vector<16xf32>
    %add3A_741 = arith.constant 2.23577976 : f32
    %add3A_742 = vector.broadcast %add3A_741 : f32 to vector<16xf32>
    %add3A_743 = arith.addf %mul3A_740, %add3A_742 : vector<16xf32>
    %mul3A_744 = arith.mulf %add3A_743, %add3A_729 : vector<16xf32>
    %add3A_745 = arith.constant -1.52127302 : f32
    %add3A_746 = vector.broadcast %add3A_745 : f32 to vector<16xf32>
    %add3A_747 = arith.addf %mul3A_744, %add3A_746 : vector<16xf32>
    %add3A_748 = arith.addf %max3A_721, %add3A_747 : vector<16xf32>
    %add3A_749 = arith.addf %add3A_748, %gather3A_718 : vector<16xf32>
    %gather3A_750 = tpu.vector_load_idx %arg8[%broadcast_in_dim3A_627, %select_n3A_499] : memref<512x128xf32, #tpu.memory_space<vmem>>[vector<16xi32>, vector<16xi32>], vector<16xf32>,
    %select_n3A_751 = arith.select %and3A_514, %select_n3A_645, %broadcast_in_dim3A_3 : vector<16xi1>, vector<16xf32>
    %max3A_752 = arith.maximumf %while3A_622#4, %while3A_622#1 : vector<16xf32>
    %max3A_753 = arith.maximumf %max3A_752, %select_n3A_751 : vector<16xf32>
    %sub3A_754 = arith.subf %while3A_622#4, %max3A_753 : vector<16xf32>
    %exp3A_755 = math.exp %sub3A_754 : vector<16xf32>
    %sub3A_756 = arith.subf %while3A_622#1, %max3A_753 : vector<16xf32>
    %exp3A_757 = math.exp %sub3A_756 : vector<16xf32>
    %add3A_758 = arith.addf %exp3A_755, %exp3A_757 : vector<16xf32>
    %sub3A_759 = arith.subf %select_n3A_751, %max3A_753 : vector<16xf32>
    %exp3A_760 = math.exp %sub3A_759 : vector<16xf32>
    %add3A_761 = arith.addf %add3A_758, %exp3A_760 : vector<16xf32>
    %mul3A_762 = arith.constant -0.01963217 : f32
    %mul3A_763 = vector.broadcast %mul3A_762 : f32 to vector<16xf32>
    %mul3A_764 = arith.mulf %add3A_761, %mul3A_763 : vector<16xf32>
    %add3A_765 = arith.constant 0.208245039 : f32
    %add3A_766 = vector.broadcast %add3A_765 : f32 to vector<16xf32>
    %add3A_767 = arith.addf %mul3A_764, %add3A_766 : vector<16xf32>
    %mul3A_768 = arith.mulf %add3A_767, %add3A_761 : vector<16xf32>
    %add3A_769 = arith.constant -0.902246177 : f32
    %add3A_770 = vector.broadcast %add3A_769 : f32 to vector<16xf32>
    %add3A_771 = arith.addf %mul3A_768, %add3A_770 : vector<16xf32>
    %mul3A_772 = arith.mulf %add3A_771, %add3A_761 : vector<16xf32>
    %add3A_773 = arith.constant 2.23577976 : f32
    %add3A_774 = vector.broadcast %add3A_773 : f32 to vector<16xf32>
    %add3A_775 = arith.addf %mul3A_772, %add3A_774 : vector<16xf32>
    %mul3A_776 = arith.mulf %add3A_775, %add3A_761 : vector<16xf32>
    %add3A_777 = arith.constant -1.52127302 : f32
    %add3A_778 = vector.broadcast %add3A_777 : f32 to vector<16xf32>
    %add3A_779 = arith.addf %mul3A_776, %add3A_778 : vector<16xf32>
    %add3A_780 = arith.addf %max3A_753, %add3A_779 : vector<16xf32>
    %add3A_781 = arith.addf %add3A_780, %gather3A_750 : vector<16xf32>
    %lt3A_782 = arith.cmpi slt, %add3A_626, %reduce_max3A_551 : i32
    %broadcast_in_dim3A_783 = vector.broadcast %lt3A_782 : i1 to vector<16xi1>
    %select_n3A_784 = arith.select %broadcast_in_dim3A_783, %add3A_669, %while3A_622#0 : vector<16xi1>, vector<16xf32>
    %select_n3A_785 = arith.select %broadcast_in_dim3A_783, %add3A_693, %while3A_622#1 : vector<16xi1>, vector<16xf32>
    %select_n3A_786 = arith.select %broadcast_in_dim3A_783, %add3A_717, %while3A_622#2 : vector<16xi1>, vector<16xf32>
    %select_n3A_787 = arith.select %broadcast_in_dim3A_783, %add3A_749, %while3A_622#3 : vector<16xi1>, vector<16xf32>
    %select_n3A_788 = arith.select %broadcast_in_dim3A_783, %add3A_781, %while3A_622#4 : vector<16xi1>, vector<16xf32>
    %swap3A_789 = arith.constant 0 : index
    %swap3A_790 = tpu.vector_load %arg13[%swap3A_789] {strides = array<i32>} : memref<48xf32, #tpu.memory_space<vmem>>, vector<16xf32>,
    tpu.vector_store %arg13[%swap3A_789], %select_n3A_784 {strides = array<i32>} : memref<48xf32, #tpu.memory_space<vmem>>, vector<16xf32>,
    %swap3A_791 = arith.constant 16 : index
    %swap3A_792 = tpu.vector_load %arg13[%swap3A_791] {strides = array<i32>} : memref<48xf32, #tpu.memory_space<vmem>>, vector<16xf32>,
    tpu.vector_store %arg13[%swap3A_791], %select_n3A_785 {strides = array<i32>} : memref<48xf32, #tpu.memory_space<vmem>>, vector<16xf32>,
    %swap3A_793 = arith.constant 32 : index
    %swap3A_794 = tpu.vector_load %arg13[%swap3A_793] {strides = array<i32>} : memref<48xf32, #tpu.memory_space<vmem>>, vector<16xf32>,
    tpu.vector_store %arg13[%swap3A_793], %select_n3A_786 {strides = array<i32>} : memref<48xf32, #tpu.memory_space<vmem>>, vector<16xf32>,
    %swap3A_795 = arith.constant 1 : index
    %swap3A_796 = tpu.vector_load %arg12[%swap3A_795] {strides = array<i32>} : memref<64xf32, #tpu.memory_space<vmem>>, vector<16xf32>,
    tpu.vector_store %arg12[%swap3A_795], %select_n3A_787 {strides = array<i32>} : memref<64xf32, #tpu.memory_space<vmem>>, vector<16xf32>,
    %swap3A_797 = arith.constant 17 : index
    %swap3A_798 = tpu.vector_load %arg12[%swap3A_797] {strides = array<i32>} : memref<64xf32, #tpu.memory_space<vmem>>, vector<16xf32>,
    tpu.vector_store %arg12[%swap3A_797], %select_n3A_788 {strides = array<i32>} : memref<64xf32, #tpu.memory_space<vmem>>, vector<16xf32>,
    %gather3A_799 = tpu.vector_load_idx %arg13[%gather3A] : memref<48xf32, #tpu.memory_space<vmem>>[vector<16xi32>], vector<16xf32>,
    %sub3A_800 = arith.constant 1 : i32
    %sub3A_801 = vector.broadcast %sub3A_800 : i32 to vector<16xi32>
    %sub3A_802 = arith.subi %gather3A, %sub3A_801 : vector<16xi32>
    %max3A_803 = arith.constant 0 : i32
    %max3A_804 = vector.broadcast %max3A_803 : i32 to vector<16xi32>
    %max3A_805 = arith.maxsi %sub3A_802, %max3A_804 : vector<16xi32>
    %add3A_806 = arith.constant 1 : i32
    %add3A_807 = vector.broadcast %add3A_806 : i32 to vector<16xi32>
    %add3A_808 = arith.addi %max3A_805, %add3A_807 : vector<16xi32>
    %gather3A_809 = tpu.vector_load_idx %arg12[%add3A_808] : memref<64xf32, #tpu.memory_space<vmem>>[vector<16xi32>], vector<16xf32>,
    %gt3A_810 = arith.constant 0 : i32
    %gt3A_811 = vector.broadcast %gt3A_810 : i32 to vector<16xi32>
    %gt3A_812 = arith.cmpi sgt, %gather3A, %gt3A_811 : vector<16xi32>
    %max3A_813 = arith.maximumf %gather3A_799, %gather3A_809 : vector<16xf32>
    %min3A_814 = arith.minimumf %gather3A_799, %gather3A_809 : vector<16xf32>
    %sub3A_815 = arith.subf %min3A_814, %max3A_813 : vector<16xf32>
    %exp3A_816 = math.exp %sub3A_815 : vector<16xf32>
    %mul3A_817 = arith.constant -0.00600660499 : f32
    %mul3A_818 = vector.broadcast %mul3A_817 : f32 to vector<16xf32>
    %mul3A_819 = arith.mulf %exp3A_816, %mul3A_818 : vector<16xf32>
    %add3A_820 = arith.constant 3.426460e-02 : f32
    %add3A_821 = vector.broadcast %add3A_820 : f32 to vector<16xf32>
    %add3A_822 = arith.addf %mul3A_819, %add3A_821 : vector<16xf32>
    %mul3A_823 = arith.mulf %add3A_822, %exp3A_816 : vector<16xf32>
    %add3A_824 = arith.constant -0.0922904164 : f32
    %add3A_825 = vector.broadcast %add3A_824 : f32 to vector<16xf32>
    %add3A_826 = arith.addf %mul3A_823, %add3A_825 : vector<16xf32>
    %mul3A_827 = arith.mulf %add3A_826, %exp3A_816 : vector<16xf32>
    %add3A_828 = arith.constant 0.164998129 : f32
    %add3A_829 = vector.broadcast %add3A_828 : f32 to vector<16xf32>
    %add3A_830 = arith.addf %mul3A_827, %add3A_829 : vector<16xf32>
    %mul3A_831 = arith.mulf %add3A_830, %exp3A_816 : vector<16xf32>
    %add3A_832 = arith.constant -0.239433378 : f32
    %add3A_833 = vector.broadcast %add3A_832 : f32 to vector<16xf32>
    %add3A_834 = arith.addf %mul3A_831, %add3A_833 : vector<16xf32>
    %mul3A_835 = arith.mulf %add3A_834, %exp3A_816 : vector<16xf32>
    %add3A_836 = arith.constant 0.331446648 : f32
    %add3A_837 = vector.broadcast %add3A_836 : f32 to vector<16xf32>
    %add3A_838 = arith.addf %mul3A_835, %add3A_837 : vector<16xf32>
    %mul3A_839 = arith.mulf %add3A_838, %exp3A_816 : vector<16xf32>
    %add3A_840 = arith.constant -0.499825507 : f32
    %add3A_841 = vector.broadcast %add3A_840 : f32 to vector<16xf32>
    %add3A_842 = arith.addf %mul3A_839, %add3A_841 : vector<16xf32>
    %mul3A_843 = arith.mulf %add3A_842, %exp3A_816 : vector<16xf32>
    %add3A_844 = arith.constant 0.999993622 : f32
    %add3A_845 = vector.broadcast %add3A_844 : f32 to vector<16xf32>
    %add3A_846 = arith.addf %mul3A_843, %add3A_845 : vector<16xf32>
    %mul3A_847 = arith.mulf %add3A_846, %exp3A_816 : vector<16xf32>
    %add3A_848 = arith.constant 3.91090538E-8 : f32
    %add3A_849 = vector.broadcast %add3A_848 : f32 to vector<16xf32>
    %add3A_850 = arith.addf %mul3A_847, %add3A_849 : vector<16xf32>
    %add3A_851 = arith.addf %max3A_813, %add3A_850 : vector<16xf32>
    %select_n3A_852 = arith.select %gt3A_812, %add3A_851, %gather3A_799 : vector<16xi1>, vector<16xf32>
    %neg3A = arith.constant 0.000000e+00 : f32
    %neg3A_853 = vector.broadcast %neg3A : f32 to vector<16xf32>
    %neg3A_854 = arith.subf %neg3A_853, %select_n3A_852 : vector<16xf32>
    %ne3A_855 = arith.cmpf one, %neg3A_854, %neg3A_854 : vector<16xf32>
    %abs3A = math.absf %neg3A_854 : vector<16xf32>
    %eq3A_856 = arith.constant 0x7F800000 : f32
    %eq3A_857 = vector.broadcast %eq3A_856 : f32 to vector<16xf32>
    %eq3A_858 = arith.cmpf oeq, %abs3A, %eq3A_857 : vector<16xf32>
    %or3A = arith.ori %ne3A_855, %eq3A_858 : vector<16xi1>
    %jit3A_859 = arith.constant 0.000000e+00 : f32
    %broadcast_in_dim3A_860 = vector.broadcast %jit3A_859 : f32 to vector<16xf32>
    %select_n3A_861 = arith.select %or3A, %broadcast_in_dim3A_860, %neg3A_854 : vector<16xi1>, vector<16xf32>
    %swap3A_862 = arith.constant 0 : index
    %swap3A_863 = tpu.vector_load %arg15[%swap3A_862] {strides = array<i32>} : memref<16xf32, #tpu.memory_space<vmem>>, vector<16xf32>,
    tpu.vector_store %arg15[%swap3A_862], %select_n3A_861 {strides = array<i32>} : memref<16xf32, #tpu.memory_space<vmem>>, vector<16xf32>,
    "tpu.region"() ({
      %run_scoped3A = tpu.sem_alloc : memref<!tpu.dma_semaphore, #tpu.memory_space<semaphore_mem>>
      %dma_start3A_864 = arith.constant 0 : i32
      %dma_start3A_865 = tpu.memref_slice %arg6[%add3A, %dma_start3A_864] : memref<32x16xf32, #tpu.memory_space<hbm>> -> memref<1x16xf32, #tpu.memory_space<hbm>>
      %dma_start3A_866 = tpu.memref_squeeze %dma_start3A_865 : memref<1x16xf32, #tpu.memory_space<hbm>> -> memref<16xf32, #tpu.memory_space<hbm>>
      %dma_start3A_867 = arith.constant 0 : i32
      %dma_start3A_868 = tpu.memref_slice %arg6[%add3A, %dma_start3A_867] : memref<32x16xf32, #tpu.memory_space<hbm>> -> memref<1x16xf32, #tpu.memory_space<hbm>>
      %dma_start3A_869 = tpu.memref_squeeze %dma_start3A_868 : memref<1x16xf32, #tpu.memory_space<hbm>> -> memref<16xf32, #tpu.memory_space<hbm>>
      tpu.enqueue_dma source(%arg15 : memref<16xf32, #tpu.memory_space<vmem>>) target(%dma_start3A_869 : memref<16xf32, #tpu.memory_space<hbm>>) target_semaphore(%run_scoped3A : memref<!tpu.dma_semaphore, #tpu.memory_space<semaphore_mem>>)
      %dma_wait3A_870 = arith.constant 0 : i32
      %dma_wait3A_871 = tpu.memref_slice %arg6[%add3A, %dma_wait3A_870] : memref<32x16xf32, #tpu.memory_space<hbm>> -> memref<1x16xf32, #tpu.memory_space<hbm>>
      %dma_wait3A_872 = tpu.memref_squeeze %dma_wait3A_871 : memref<1x16xf32, #tpu.memory_space<hbm>> -> memref<16xf32, #tpu.memory_space<hbm>>
      %dma_wait3A_873 = arith.constant 0 : i32
      %dma_wait3A_874 = tpu.memref_slice %arg6[%add3A, %dma_wait3A_873] : memref<32x16xf32, #tpu.memory_space<hbm>> -> memref<1x16xf32, #tpu.memory_space<hbm>>
      %dma_wait3A_875 = tpu.memref_squeeze %dma_wait3A_874 : memref<1x16xf32, #tpu.memory_space<hbm>> -> memref<16xf32, #tpu.memory_space<hbm>>
      tpu.wait_dma2 semaphore(%run_scoped3A : memref<!tpu.dma_semaphore, #tpu.memory_space<semaphore_mem>>) src(%arg15 : memref<16xf32, #tpu.memory_space<vmem>>) dst(%dma_wait3A_875 : memref<16xf32, #tpu.memory_space<hbm>>)
      tpu.yield
    }) : () -> ()
    return
  }
}

</mosaic_0001>

<sc_bundles>
// kernel: kernel.3.cloned.1.call-start
scs
__scs_entry_jumppad:
0x0: {  	(pc) =	sbr.rel $0x88, $3  }
0x1: {  	(tag) =	ssettag $0x0;
	lr =	simm.s32 $0x1  }
0x2: {  	[smem:$0x3F9D] =	sst lr;
	_ =	strace $0xD0000000  }
0x3: {  	_ = 	snop  }
0x4: {  	_ = 	snop  }
0x5: {  	_ = 	snop  }
0x6: {  	_ = 	snop  }
0x7: {  	_ = 	snop  }
__scs_overlays_trampoline_lowered:
0x8: {  	[smem:$0x3FAC] =	sst s0  }
0x9: {  	[smem:$0x3FAD] =	sst s1  }
0xa: {  	[smem:$0x3FAE] =	sst s2  }
0xb: {  	[smem:$0x3FAF] =	sst s3  }
0xc: {  	[smem:$0x3FB0] =	sst s4  }
0xd: {  	[smem:$0x3FB1] =	sst s5  }
0xe: {  	[smem:$0x3FB2] =	sst s6  }
0xf: {  	[smem:$0x3FB3] =	sst s7  }
0x10: {  	[smem:$0x3FB4] =	sst s8  }
0x11: {  	[smem:$0x3FB5] =	sst s9;
	s0 =	simm.s32 @!p0 $0x0  }
0x12: {  	s1 =	sld [smem:$0x3F9B];
	s0 =	simm.s32 @p0 $0x1  }
0x13: {  	[smem:$0x3FB6] =	sst s0;
	s0 =	simm.s32 @!p1 $0x0  }
0x14: {  	s2 =	sld [smem:$0x3F9A];
	s0 =	simm.s32 @p1 $0x1  }
0x15: {  	[smem:$0x3FB7] =	sst s0;
	s0 =	simm.s32 @!p2 $0x0  }
0x16: {  	s3 =	sld [smem:$0x3FDB];
	s0 =	simm.s32 @p2 $0x1  }
0x17: {  	s4 =	simm.s32 $0x1BF5;
	[smem:$0x3FB9] =	sst s0  }
0x18: {  	s0 =	sld [smem:$0x3F9C];
	_ =	swait.ge [sflag:s4], $0x0  }
0x19: {  	s7 =	sld [smem:$0x3F9D]  }
0x1a: {  	s8 =	sadd.s32 $0xFFFFE003, lr  }
0x1b: {  	s9 =	sadd.s32 $0xFFFFFEF7, lr;
	s5 =	simm.s32 $0xFFFFFFFF;
	p2 =	slt.u32 s8, $0xFFFFF086  }
0x1c: {  	p1 =	slt.u32 s9, $0xF7A;
	s5 =	simm.s32 @!p2 $0x0  }
0x1d: {  	s5 =	simm.s32 @p1 $0x1;
	p0 =	seq.s32 s7, s2  }
0x1e: {  	s7 =	smul.u32 @!p0 $0xF7A, s2;
	p2 =	seq.s32 @!p0 s5, $0x0  }
0x1f: {  	s9 =	smul.u32 $0xF7A, s1;
	s8 =	simm.s32 @!p0 $0x1BF5;
	p2 =	por !p2, p0  }
0x20: {  	[sflag:s8] =	ssyncset.s32 @!p0 $0xFFFFF086;
	s6 =	sadd.s32 @!p0 s3, s7;
	s7 =	simm.s32 @!p0 $0x108  }
0x21: {  	s3 =	sadd.s32 s3, s9;
	s6 =	sadd.s32 @!p0 $0x88, s6;
	s7 =	simm.s32 @p2 $0x1082  }
0x22: {  	[simem:s7], [sflag:s8] =	dma.local @!p0 [hbm:s6], $0xF7A  }
0x23: {  	s9 =	sor.u32 $0xD0000000, s2;
	s6 =	simm.s32 $0x108;
	_ =	swait.ge @!p0 [sflag:s8], $0x0  }
0x24: {  	s3 =	sadd.s32 $0x88, s3;
	s6 =	simm.s32 @!p1 $0x1082;
	[sflag:s4] =	ssyncset.s32 $0xFFFFF086  }
0x25: {  	[simem:s6], [sflag:s4] =	dma.local [hbm:s3], $0xF7A  }
0x26: {  	[smem:$0x3F9D] =	sst s1;
	(tag) =	ssettag s2;
	_ =	strace s9  }
0x27: {  	s1 =	sld [smem:$0x3FAD]  }
0x28: {  	s2 =	sld [smem:$0x3FAE]  }
0x29: {  	s4 =	sld [smem:$0x3FB0]  }
0x2a: {  	p0 =	seq.s32 s5, $0x0;
	s5 =	sld [smem:$0x3FB1]  }
0x2b: {  	s6 =	sld [smem:$0x3FB2]  }
0x2c: {  	s7 =	sld [smem:$0x3FB3]  }
0x2d: {  	s3 =	simm.s32 $0x108;
	s8 =	sld [smem:$0x3FB4]  }
0x2e: {  	s3 =	simm.s32 @!p0 $0x1082;
	s9 =	sld [smem:$0x3FB5]  }
0x2f: {  	lr =	sadd.s32 s0, s3;
	s0 =	sld [smem:$0x3FAC]  }
0x30: {  	s3 =	sld [smem:$0x3FAF]  }
0x31: {  	[smem:$0x3FB8] =	sst s10  }
0x32: {  	s10 =	sld [smem:$0x3FB6];
	_ =	sdelay $0x3  }
0x33: {  	p0 =	seq.s32 s10, $0x1;
	s10 =	sld [smem:$0x3FB8];
	_ =	sdelay $0x3  }
0x34: {  	[smem:$0x3FB8] =	sst s10  }
0x35: {  	s10 =	sld [smem:$0x3FB7];
	_ =	sdelay $0x3  }
0x36: {  	p1 =	seq.s32 s10, $0x1;
	s10 =	sld [smem:$0x3FB8];
	_ =	sdelay $0x3  }
0x37: {  	[smem:$0x3FB8] =	sst s10  }
0x38: {  	s10 =	sld [smem:$0x3FB9]  }
0x39: {  	_ = 	snop;
	(pc) =	sbr.ind lr, $3  }
0x3a: {  	_ = 	snop  }
0x3b: {  	_ = 	snop  }
0x3c: {  	p2 =	seq.s32 s10, $0x1;
	s10 =	sld [smem:$0x3FB8]  }
0x3d: {  	_ =	shalt  }
0x3e: {  	_ =	shalt  }
0x3f: {  	_ =	shalt  }
0x40: {  	_ =	shalt  }
0x41: {  	_ =	shalt  }
0x42: {  	_ =	shalt  }
0x43: {  	_ =	shalt  }
0x44: {  	_ =	shalt  }
0x45: {  	_ =	shalt  }
0x46: {  	_ =	shalt  }
0x47: {  	_ =	shalt  }
0x48: {  	_ =	shalt  }
0x49: {  	_ =	shalt  }
0x4a: {  	_ =	shalt  }
0x4b: {  	_ =	shalt  }
0x4c: {  	_ =	shalt  }
0x4d: {  	_ =	shalt  }
0x4e: {  	_ =	shalt  }
0x4f: {  	_ =	shalt  }
0x50: {  	_ =	shalt  }
0x51: {  	_ =	shalt  }
0x52: {  	_ =	shalt  }
0x53: {  	_ =	shalt  }
0x54: {  	_ =	shalt  }
0x55: {  	_ =	shalt  }
0x56: {  	_ =	shalt  }
0x57: {  	_ =	shalt  }
0x58: {  	_ =	shalt  }
0x59: {  	_ =	shalt  }
0x5a: {  	_ =	shalt  }
0x5b: {  	_ =	shalt  }
0x5c: {  	_ =	shalt  }
0x5d: {  	_ =	shalt  }
0x5e: {  	_ =	shalt  }
0x5f: {  	_ =	shalt  }
0x60: {  	_ =	shalt  }
0x61: {  	_ =	shalt  }
0x62: {  	_ =	shalt  }
0x63: {  	_ =	shalt  }
0x64: {  	_ =	shalt  }
0x65: {  	_ =	shalt  }
0x66: {  	_ =	shalt  }
0x67: {  	_ =	shalt  }
0x68: {  	_ =	shalt  }
0x69: {  	_ =	shalt  }
0x6a: {  	_ =	shalt  }
0x6b: {  	_ =	shalt  }
0x6c: {  	_ =	shalt  }
0x6d: {  	_ =	shalt  }
0x6e: {  	_ =	shalt  }
0x6f: {  	_ =	shalt  }
0x70: {  	_ =	shalt  }
0x71: {  	_ =	shalt  }
0x72: {  	_ =	shalt  }
0x73: {  	_ =	shalt  }
0x74: {  	_ =	shalt  }
0x75: {  	_ =	shalt  }
0x76: {  	_ =	shalt  }
0x77: {  	_ =	shalt  }
0x78: {  	_ =	shalt  }
0x79: {  	_ =	shalt  }
0x7a: {  	_ =	shalt  }
0x7b: {  	_ =	shalt  }
0x7c: {  	_ =	shalt  }
0x7d: {  	_ =	shalt  }
0x7e: {  	_ =	shalt  }
0x7f: {  	_ =	shalt  }
0x80: {  	_ =	shalt  }
0x81: {  	_ =	shalt  }
0x82: {  	_ =	shalt  }
0x83: {  	_ =	shalt  }
0x84: {  	_ =	shalt  }
0x85: {  	_ =	shalt  }
0x86: {  	_ =	shalt  }
0x87: {  	_ =	shalt  }
.Lfunc_end0:
.L_simem_size_0:
called_computation_lowered:
.L_overlay_start_0:
0x88: {  	s2 =	sld [smem:$0x3FD9]  }
0x89: {  	s3 =	sld [smem:$0x3FFE];
	_ =	sdelay $0x1  }
0x8a: {  	s1 =	srdreg.scid  }
0x8b: {  	s0 =	sand.u32 $0x1, s1  }
0x8c: {  	s17 =	sshll.u32 s0, $0xA;
	s2 =	sadd.s32 s3, s2  }
0x8d: {  	s2 =	sadd.s32 s2, s17  }
0x8e: {  	[smem:$0x3FC4] =	sst s2  }
0x8f: {  	_ = 	snop  }
0x90: {  	s2 =	sld [smem:$0x3FC9]  }
0x91: {  	s18 =	sld [smem:$0x3FC8]  }
0x92: {  	s4 =	sld [smem:$0x3FC7]  }
0x93: {  	s5 =	sld [smem:$0x3FC6];
	(tm) =	ssettm $0x1  }
0x94: {  	s6 =	sld [smem:$0x3FFB];
	_ =	sdelay $0x3  }
0x95: {  	_ =	strace s6  }
0x96: {  	s6 =	sld [smem:$0x3FFC];
	_ =	sdelay $0x3  }
0x97: {  	_ =	strace s6  }
0x98: {  	s6 =	sld [smem:$0x3FFD];
	_ =	sdelay $0x3  }
0x99: {  	_ =	strace s6  }
0x9a: {  	_ =	strace $0x8FFFFFFF  }
0x9b: {  	s19 =	sld [smem:$0x3FDB];
	_ =	sdelay $0x1  }
0x9c: {  	s7 =	simm.s32 $_scs_section_size  }
0x9d: {  	s8 =	simm.s32 $_size__tile_overlayer_lowered;
	s9 =	simm.s32 $_tile_overlayer_lowered  }
0x9e: {  	s22 =	simm.s32 $0x1BFF;
	s21 =	sshll.u32 s9, $0x1;
	s6 =	sadd.s32 s7, s19  }
0x9f: {  	s10 =	simm.s32 $0x0;
	s20 =	sshll.u32 s8, $0x1;
	s8 =	sadd.s32 s21, s6  }
0xa0: {  	[timem:s10], [sflag:s22] =	dma.local [hbm:s8], s20  }
0xa1: {  	_ =	swait.ge [sflag:s22], s20  }
0xa2: {  	s7 =	ssub.s32 $0x0, s20;
	[sflag:s22] =	ssyncset.done $0x0  }
0xa3: {  	[sflag:s22] =	ssyncadd.s32 s7;
	_ =	sdelay $0x1  }
0xa4: {  	s23 =	simm.s32 $0x1B8B  }
0xa5: {  	_ =	swait.ge [sflag:s23], $0x1  }
0xa6: {  	[sflag:s23] =	ssyncset.done $0x0  }
0xa7: {  	s25 =	simm.s32 $0x1B8E;
	s24 =	sld [smem:$0x3FFE];
	[sflag:s23] =	ssyncadd.s32 $0xFFFFFFFF  }
0xa8: {  	s26 =	simm.s32 $execute0_lowered;
	[smem:$0x3FD2] =	sst s25  }
0xa9: {  	s8 =	sshll.u32 s26, $0x1;
	_ =	strace $0x80000046;
	[dreg:$0x1] =	wrdreg $0xFFFFFFFF  }
0xaa: {  	s28 =	simm.s32 $_size_execute0_lowered;
	s6 =	sadd.s32 s6, s8;
	[dreg:$0x0] =	wrdreg $0x0  }
0xab: {  	s8 =	sshll.u32 s28, $0x1;
	[dreg:$0x2] =	wrdreg s6  }
0xac: {  	[dreg:$0x3] =	wrdreg s8  }
0xad: {  	[dreg:$0x4] =	wrdreg $0xC0  }
0xae: {  	_ =	task [dreg:s10], $0x5FFFF  }
0xaf: {  	[dreg:$0x1] =	wrdreg $0xFFFFFFFF  }
0xb0: {  	[dreg:$0x0] =	wrdreg $0x60  }
0xb1: {  	[dreg:$0x2] =	wrdreg s2  }
0xb2: {  	[dreg:$0x3] =	wrdreg s18  }
0xb3: {  	[dreg:$0x4] =	wrdreg s4  }
0xb4: {  	[dreg:$0x5] =	wrdreg s5  }
0xb5: {  	[dreg:$0x6] =	wrdreg s24  }
0xb6: {  	[dreg:$0x7] =	wrdreg $0x9  }
0xb7: {  	_ =	task.clear_ibuf [dreg:s10], $0x8FFFF;
	_ =	strace $0x90000046  }
0xb8: {  	s29 =	simm.s32 $0x9;
	_ =	strace $0x80000048  }
0xb9: {  	_ =	swait.ge [sflag:s29], $0x1  }
0xba: {  	[sflag:s29] =	ssyncadd.s32 $0xFFFFFFFF  }
0xbb: {  	_ =	strace $0x90000048  }
0xbc: {  	_ =	sfence  }
0xbd: {  	s30 =	sld [smem:$0x0];
	_ =	sdelay $0x2  }
0xbe: {  	s31 =	sshll.u32 s1, $0xD;
	s1 =	sshrl.u32 s1, $0x2  }
0xbf: {  	s3 =	sand.u32 $0x4000, s31;
	s1 =	sadd.s32 s1, s30  }
0xc0: {  	s0 =	sor.u32 s3, s0;
	s1 =	sshll.u32 s1, $0x11  }
0xc1: {  	s0 =	sor.u32 s1, s0  }
0xc2: {  	s0 =	sadd.s32 $0x8F2B, s0  }
0xc3: {  	[sflag:s0] =	ssyncadd.remote.s32 $0x1  }
0xc4: {  	_ =	sfence.sel $0xFFFF  }
0xc5: {  	[dreg:$0x0] =	wrdreg $0xFFFFFFFF;
	(pc) =	sbr.abs _section_cstart, $3  }
0xc6: {  	[dreg:$0x1] =	wrdreg $0xFFFFFFFF  }
0xc7: {  	_ =	task.clear_ibuf [dreg:s10], $0x2FFFF;
	_ =	strace $0x9FFFFFFF  }
0xc8: {  	(tm) =	ssettm $0x7FFFFFFF  }
0xc9: {  	_ =	shalt  }
tec
execute0_lowered:
.L_overlay_start_1:
0x0: {  	(tag) =	ssettag $0x1  }
0x1: {  	s1 =	srdreg.scid;
	s0 =	stileid.u32  }
0x2: {  	v0 =	vlaneseq.u32;
	vm2 =	vcmask $0x300;
	v30 =	vimm.s32 $0x80000000;
	s8 =	sand.u32 $0x1, s1;
	s31 =	sshll.u32 s0, $0x1  }
0x3: {  	vm0 =	vcmask $0x704;
	vm1 =	vcmask $0x2724;
	v33 =	vmul.u32 $0x20, v0;
	s7 =	sor.u32 s8, s31  }
0x4: {  	vm3 =	vcmask $0x2B28;
	v32 =	vsel vm2, $0x80000001, v30;
	v1 =	vmov s7  }
0x5: {  	v2 =	vor.u32 s7, v33;
	v3 =	vor.u32 $0x200, v33;
	v4 =	vor.u32 $0x400, v33  }
0x6: {  	v5 =	vor.u32 $0x600, v33;
	v6 =	vor.u32 $0x800, v33;
	v7 =	vor.u32 $0xA00, v33  }
0x7: {  	v8 =	vor.u32 $0xC00, v33;
	v9 =	vor.u32 $0xE00, v33;
	v10 =	vor.u32 $0x1000, v33  }
0x8: {  	v11 =	vor.u32 $0x1200, v33;
	v12 =	vor.u32 $0x1400, v33;
	v13 =	vor.u32 $0x1600, v33  }
0x9: {  	v14 =	vor.u32 $0x1800, v33;
	v15 =	vor.u32 $0x1A00, v33;
	v16 =	vor.u32 $0x1C00, v33  }
0xa: {  	v17 =	vor.u32 $0x1E00, v33;
	v18 =	vor.u32 $0x2000, v33;
	v19 =	vor.u32 $0x2200, v33  }
0xb: {  	v20 =	vor.u32 $0x2400, v33;
	v21 =	vor.u32 $0x2600, v33;
	v22 =	vor.u32 $0x2800, v33  }
0xc: {  	v23 =	vor.u32 $0x2A00, v33;
	v24 =	vor.u32 $0x2C00, v33;
	v25 =	vor.u32 $0x2E00, v33  }
0xd: {  	v26 =	vor.u32 $0x3000, v33;
	v27 =	vor.u32 $0x3200, v33;
	v28 =	vor.u32 $0x3400, v33  }
0xe: {  	v29 =	vor.u32 $0x3600, v33;
	v31 =	vor.u32 $0x3800, v33;
	v59 =	vor.u32 $0x3A00, v33  }
0xf: {  	v61 =	vor.u32 $0x3C00, v33;
	v33 =	vor.u32 $0x3E00, v33;
	v3 =	vor.u32 s7, v3  }
0x10: {  	v4 =	vor.u32 s7, v4;
	v5 =	vor.u32 s7, v5;
	v6 =	vor.u32 s7, v6  }
0x11: {  	v7 =	vor.u32 s7, v7;
	v8 =	vor.u32 s7, v8;
	v9 =	vor.u32 s7, v9  }
0x12: {  	v10 =	vor.u32 s7, v10;
	v11 =	vor.u32 s7, v11;
	v12 =	vor.u32 s7, v12  }
0x13: {  	v13 =	vor.u32 s7, v13;
	v14 =	vor.u32 s7, v14;
	v15 =	vor.u32 s7, v15  }
0x14: {  	v16 =	vor.u32 s7, v16;
	v17 =	vor.u32 s7, v17;
	v18 =	vor.u32 s7, v18  }
0x15: {  	v19 =	vor.u32 s7, v19;
	v20 =	vor.u32 s7, v20;
	v21 =	vor.u32 s7, v21  }
0x16: {  	v22 =	vor.u32 s7, v22;
	v23 =	vor.u32 s7, v23;
	v24 =	vor.u32 s7, v24  }
0x17: {  	v30 =	vor.u32 s7, v31;
	v31 =	vsel vm0, $0x80000002, v32;
	vm0 =	vcmask $0xB08  }
0x18: {  	s2 =	rddreg [dreg:$0x1];
	v25 =	vor.u32 s7, v25;
	v34 =	vsel vm0, $0x80000003, v31;
	vm0 =	vcmask $0xF0C  }
0x19: {  	s3 =	rddreg [dreg:$0x2];
	v26 =	vor.u32 s7, v26;
	v60 =	vsel vm0, $0x80000004, v34;
	vm0 =	vcmask $0x1310  }
0x1a: {  	s4 =	rddreg [dreg:$0x3];
	v27 =	vor.u32 s7, v27;
	v35 =	vsel vm0, $0x80000005, v60;
	vm0 =	vcmask $0x1714  }
0x1b: {  	s9 =	rddreg [dreg:$0x4];
	s6 =	simm.s32 $0x0;
	v28 =	vor.u32 s7, v28;
	v62 =	vsel vm0, $0x80000006, v35;
	vm0 =	vcmask $0x1B18  }
0x1c: {  	s11 =	simm.s32 $0x80;
	s12 =	simm.s32 $0x8200;
	s13 =	simm.s32 $0x180;
	v29 =	vor.u32 s7, v29;
	v34 =	vsel vm0, $0x80000007, v62;
	vm0 =	vcmask $0x1F1C  }
0x1d: {  	s14 =	simm.s32 $0x100;
	s15 =	simm.s32 $0xC200;
	s16 =	simm.s32 $0x10200;
	v32 =	vor.u32 s7, v61;
	v63 =	vsel vm0, $0x80000008, v34;
	vm0 =	vcmask $0x2320  }
0x1e: {  	s17 =	simm.s32 $0x2;
	s18 =	simm.s32 $0x10600;
	s19 =	simm.s32 $0x10680;
	v33 =	vor.u32 s7, v33;
	v34 =	vor.u32 $0x10, v0;
	v35 =	vsel vm0, $0x80000009, v63  }
0x1f: {  	s20 =	simm.s32 $0x10800;
	s22 =	simm.s32 $0x10780;
	s23 =	simm.s32 $0x10700;
	v31 =	vor.u32 s7, v59;
	vm0 =	vgt.u32 v1, v34;
	v35 =	vsel vm1, $0x8000000A, v35  }
.Ltmp0:
0x20: {  	s21 =	simm.s32 $0x1;
	s24 =	simm.s32 $0x10880;
	vm1 =	vgt.u32 v1, v0;
	v36 =	vsel vm3, $0x8000000B, v35;
	vm3 =	vcmask $0x2F2C;
	(pc) =	sbr.rel .LBB2_1-.Ltmp0, $4  }
0x21: {  	s25 =	simm.s32 $0x0;
	[smem:$0x7FF] =	sst s6;
	s8 =	ssub.s32 $0x2, s8;
	v35 =	vimm.s32 $0x0;
	v37 =	vsel vm3, $0x8000000C, v36;
	vm3 =	vcmask $0x3330  }
0x22: {  	s1 =	rddreg [dreg:$0x0];
	_ =	strace $0x80000047;
	s10 =	sshrl.u32 s8, $0x1;
	v36 =	vsel vm2, $0xFFFFFFFF, v35;
	vm2 =	vcmask $0x3734;
	v38 =	vsel vm3, $0x8000000D, v37  }
0x23: {  	s8 =	ssub.s32 s8, s10;
	s10 =	simm.s32 $0x4200;
	s7 =	sshll.u32 s7, $0x4;
	v37 =	vadd.s32 $0x1, v0;
	vm3 =	vcmask $0x3B38;
	v39 =	vsel vm2, $0x8000000E, v38  }
0x24: {  	s8 =	smax.u32 s8, $0x1;
	s7 =	sadd.s32 s9, s7;
	s9 =	simm.s32 $0x200;
	v38 =	vadd.s32 $0x11, v0;
	vm2 =	vmmov $0x1;
	v39 =	vsel vm3, $0x8000000F, v39  }
.LBB2_2:
0x25: {  	v47 =	vimm.f32 $-1.000000020e+30;
	v46 =	vimm.f32 $-1.000000020e+30  }
.LBB2_6:
0x26: {  	(xrf1) =	vsort.ascd.msk.u32 $0xffff, v39, v45;
	_ =	sdelay $0x2  }
0x27: {  	(xrf1) =	vsort.ascd.msk.u32 $0xffff, v39, v46;
	_ =	sdelay $0xa  }
0x28: {  	vm6 =	veq.s32 v0, $0x0;
	_, v48, _ =	vpop (xrf1)  }
0x29: {  	v50 =	vsel vm6, $0xF149F2CA, v48  }
0x2a: {  	v51 =	vmax.f32 v44, v50;
	v52 =	vmin.f32 v44, v50  }
0x2b: {  	v56 =	vmax.f32 v45, v44;
	v57 =	vmax.f32 v46, v43;
	_, v49, _ =	vpop (xrf1);
	v52 =	vsub.f32 v52, v51  }
0x2c: {  	v48 =	vsel vm2, v48, v49;
	v49 =	vnsel vm2, $0xF149F2CA, v49;
	v50 =	vnsel vm4, $0xF149F2CA, v50  }
0x2d: {  	v53 =	vmax.f32 v43, v48;
	v54 =	vmin.f32 v43, v48;
	v52 =	vmul.f32 $1.442695020e+00, v52  }
0x2e: {  	v55 =	vmax.f32 v47, v49;
	v49 =	vmin.f32 v47, v49;
	v54 =	vsub.f32 v54, v53  }
0x2f: {  	v49 =	vsub.f32 v49, v55;
	(erf) = vpow2.f32 v52;
	v52 =	vmax.f32 v56, v50  }
0x30: {  	v48 =	vnsel vm5, $0xF149F2CA, v48;
	v54 =	vmul.f32 $1.442695020e+00, v54;
	v61 =	vsub.f32 v45, v52  }
0x31: {  	v57 =	vmax.f32 v57, v48;
	v49 =	vmul.f32 $1.442695020e+00, v49;
	v56 =	vsub.f32 v44, v52  }
0x32: {  	(erf) = vpow2.f32 v54;
	v50 =	vsub.f32 v50, v52;
	v54 =	vmul.f32 $1.442695020e+00, v61  }
0x33: {  	v63 =	vsub.f32 v46, v57;
	(erf) = vpow2.f32 v49;
	v62 =	vmul.f32 $1.442695020e+00, v56  }
0x34: {  	v59 =	vsub.f32 v43, v57;
	v50 =	vmul.f32 $1.442695020e+00, v50;
	(erf) = vpow2.f32 v54  }
0x35: {  	v48 =	vsub.f32 v48, v57;
	v60 =	vmul.f32 $1.442695020e+00, v63;
	(erf) = vpow2.f32 v62  }
0x36: {  	v61 =	vmul.f32 $1.442695020e+00, v59;
	(erf) = vpow2.f32 v50  }
0x37: {  	v48 =	vmul.f32 $1.442695020e+00, v48;
	(erf) = vpow2.f32 v60  }
0x38: {  	(erf) = vpow2.f32 v61;
	_ =	sdelay $0x1  }
0x39: {  	v49 =	vpop (erf);
	(erf) = vpow2.f32 v48  }
0x3a: {  	v48 =	vpop (erf);
	v62 =	vmul.f32 $5.437093230e-02, v49  }
0x3b: {  	v54 =	vpop (erf)  }
0x3c: {  	v50 =	vsub.f32 $2.164487090e-01, v62;
	v56 =	vpop (erf)  }
0x3d: {  	v58 =	vpop (erf)  }
0x3e: {  	v63 =	vmul.f32 $5.437093230e-02, v54;
	v50 =	vmul.f32 v50, v49;
	v59 =	vpop (erf)  }
0x3f: {  	v61 =	vmul.f32 $5.437093230e-02, v48;
	v60 =	vpop (erf)  }
0x40: {  	v50 =	vadd.f32 $-4.650204480e-01, v50;
	v56 =	vadd.f32 v58, v56;
	v62 =	vpop (erf)  }
0x41: {  	v58 =	vsub.f32 $2.164487090e-01, v61;
	v60 =	vadd.f32 v62, v60  }
0x42: {  	v61 =	vsub.f32 $2.164487090e-01, v63;
	v50 =	vmul.f32 v50, v49;
	v56 =	vadd.f32 v56, v59;
	v63 =	vpop (erf)  }
0x43: {  	v58 =	vmul.f32 v58, v48;
	v62 =	vand.u32 $0xFFFFFF80, v42;
	v59 =	vadd.f32 v60, v63  }
0x44: {  	v50 =	vadd.f32 $9.959657780e-01, v50;
	v60 =	vmul.f32 v61, v54;
	v61 =	vmul.f32 $1.963217000e-02, v56  }
0x45: {  	s5 =	sshllo.u32 s28, $0x1;
	v42 =	vand.u32 $0x7F, v42;
	v58 =	vadd.f32 $-4.650204480e-01, v58;
	v63 =	vmul.f32 $1.963217000e-02, v59  }
0x46: {  	s28 =	sshll.u32 s5, $0x7;
	v49 =	vmul.f32 v50, v49;
	v50 =	vadd.f32 $-4.650204480e-01, v60;
	v60 =	vsub.f32 $2.082450390e-01, v61  }
0x47: {  	v62 =	vadd.s32 s28, v62;
	v61 =	vmov s28;
	v63 =	vsub.f32 $2.082450390e-01, v63  }
0x48: {  	v42 =	vor.u32 v42, v62;
	v60 =	vmul.f32 v60, v56  }
0x49: {  	v62 =	vand.u32 $0xFFFFFF80, v41;
	v58 =	vmul.f32 v58, v48;
	v63 =	vmul.f32 v63, v59  }
0x4a: {  	v41 =	vand.u32 $0x7F, v41;
	v50 =	vmul.f32 v50, v54;
	v60 =	vadd.f32 $-9.022461770e-01, v60  }
0x4b: {  	v62 =	vadd.s32 s28, v62;
	v58 =	vadd.f32 $9.959657780e-01, v58;
	v63 =	vadd.f32 $-9.022461770e-01, v63  }
0x4c: {  	v49 =	vadd.f32 $7.942077350e-05, v49;
	v50 =	vadd.f32 $9.959657780e-01, v50;
	v61 =	vld.idx.msk [tilespmem:v61+s9+$0x0], $0xffff;
	v60 =	vmul.f32 v60, v56  }
0x4d: {  	v41 =	vor.u32 v41, v62;
	v48 =	vmul.f32 v58, v48;
	v62 =	vmul.f32 v63, v59  }
0x4e: {  	v49 =	vadd.f32 v49, v51;
	v50 =	vmul.f32 v50, v54;
	v63 =	vadd.f32 $2.235779760e+00, v60  }
0x4f: {  	v48 =	vadd.f32 $7.942077350e-05, v48;
	v60 =	vadd.f32 $2.235779760e+00, v62  }
0x50: {  	v50 =	vadd.f32 $7.942077350e-05, v50;
	v51 =	vmul.f32 v63, v56  }
0x51: {  	v42 =	vld.idx.msk [tilespmem:v42+s9+$0x0], $0xffff;
	v48 =	vadd.f32 v48, v53;
	v49 =	vadd.f32 v61, v49;
	v62 =	vmul.f32 v60, v59  }
0x52: {  	v41 =	vld.idx.msk [tilespmem:v41+s9+$0x0], $0xffff;
	v50 =	vadd.f32 v50, v55;
	v51 =	vadd.f32 $-1.521273020e+00, v51  }
0x53: {  	s26 =	sxor.u32 $0x80000000, s26;
	v48 =	vadd.f32 v61, v48;
	v53 =	vadd.f32 $-1.521273020e+00, v62  }
0x54: {  	p0 =	slt.s32 s5, s26;
	v63 =	vadd.s32 $0xFFFFFFFF, v40;
	v50 =	vadd.f32 v61, v50;
	v51 =	vadd.f32 v51, v52  }
0x55: {  	vm15 =	vgt.s32 v63, $0x0;
	v56 =	vpsel p0, v49, v44;
	v53 =	vadd.f32 v53, v57  }
0x56: {  	v58 =	vnsel vm15, $0x0, v63;
	[tilespmem:$0x10780] =	vst v56;
	v59 =	vpsel p0, v50, v47;
	v42 =	vadd.f32 v42, v51  }
0x57: {  	v60 =	vadd.s32 $0x1, v58;
	[tilespmem:$0x107A0] =	vst v59;
	v57 =	vpsel p0, v48, v43;
	v41 =	vadd.f32 v41, v53  }
0x58: {  	[tilespmem:$0x10790] =	vst v57;
	v42 =	vpsel p0, v42, v45  }
0x59: {  	[tilespmem:$0x10701] =	vst v42;
	v41 =	vpsel p0, v41, v46  }
0x5a: {  	[tilespmem:$0x10711] =	vst v41  }
0x5b: {  	v61 =	vld.idx.msk [tilespmem:v40+s22+$0x0], $0xffff  }
0x5c: {  	v41 =	vld.idx.msk [tilespmem:v60+s23+$0x0], $0xffff;
	_ =	sdelay $0x4  }
0x5d: {  	v62 =	vmax.f32 v61, v41;
	v41 =	vmin.f32 v61, v41  }
0x5e: {  	v41 =	vsub.f32 v41, v62;
	_ =	sdelay $0x1  }
0x5f: {  	v41 =	vmul.f32 $1.442695020e+00, v41;
	_ =	sdelay $0x1  }
0x60: {  	(erf) = vpow2.f32 v41;
	_ =	sdelay $0x8  }
0x61: {  	v41 =	vpop (erf)  }
0x62: {  	v63 =	vmul.f32 $-6.006604990e-03, v41;
	_ =	sdelay $0x1  }
0x63: {  	v43 =	vadd.f32 $3.426460180e-02, v63;
	_ =	sdelay $0x1  }
0x64: {  	v43 =	vmul.f32 v43, v41;
	_ =	sdelay $0x1  }
0x65: {  	v43 =	vadd.f32 $-9.229041640e-02, v43;
	_ =	sdelay $0x1  }
0x66: {  	v43 =	vmul.f32 v43, v41;
	_ =	sdelay $0x1  }
0x67: {  	v43 =	vadd.f32 $1.649981290e-01, v43;
	_ =	sdelay $0x1  }
0x68: {  	v43 =	vmul.f32 v43, v41;
	_ =	sdelay $0x1  }
0x69: {  	v43 =	vadd.f32 $-2.394333780e-01, v43;
	_ =	sdelay $0x1  }
0x6a: {  	v43 =	vmul.f32 v43, v41;
	_ =	sdelay $0x1  }
0x6b: {  	v43 =	vadd.f32 $3.314466480e-01, v43;
	_ =	sdelay $0x1  }
0x6c: {  	v43 =	vmul.f32 v43, v41;
	_ =	sdelay $0x1  }
0x6d: {  	v43 =	vadd.f32 $-4.998255070e-01, v43;
	_ =	sdelay $0x1  }
0x6e: {  	v43 =	vmul.f32 v43, v41;
	_ =	sdelay $0x1  }
0x6f: {  	v43 =	vadd.f32 $9.999936220e-01, v43;
	_ =	sdelay $0x1  }
0x70: {  	v41 =	vmul.f32 v43, v41;
	_ =	sdelay $0x1  }
0x71: {  	v41 =	vadd.f32 $3.910905380e-08, v41;
	_ =	sdelay $0x1  }
0x72: {  	v41 =	vadd.f32 v41, v62;
	_ =	sdelay $0x1  }
0x73: {  	v40 =	vsel vm3, v41, v61  }
0x74: {  	v40 =	vsub.f32 $0.0e+00, v40;
	_ =	sdelay $0x1  }
0x75: {  	s25 =	sadd.s32 $0x1, s25;
	vm3 =	vclass.f32 v40, $0x102  }
0x76: {  	p0 =	sne.s32 s25, s8;
	v40 =	vsel vm3, $0x0, v40  }
.Ltmp1:
0x77: {  	[tilespmem:$0x10880] =	vst v40;
	(pc) =	sbr.rel @!p0 .LBB2_7-.Ltmp1, $4  }
0x78: {  	[hbm4b:s7+s6] =	stream.linear.scatter [tilespmem:s24], [sflag:$0x2], $0x80, $0x38;
	[tilespmem:$0x10900] =	vst v63  }
0x79: {  	_ =	swait.ge [sflag:s17], $0x80  }
0x7a: {  	[sflag:s17] =	ssyncset.done $0x0  }
0x7b: {  	[sflag:s17] =	ssyncadd.s32 $0xFFFFFF80  }
.LBB2_1:
0x7c: {  	[tilespmem:$0x0] =	vst v2  }
0x7d: {  	[tilespmem:$0x10] =	vst v3  }
0x7e: {  	[tilespmem:$0x20] =	vst v4  }
0x7f: {  	[tilespmem:$0x30] =	vst v5  }
0x80: {  	[tilespmem:$0x40] =	vst v6  }
0x81: {  	[tilespmem:$0x50] =	vst v7  }
0x82: {  	[tilespmem:$0x60] =	vst v8  }
0x83: {  	[tilespmem:$0x70] =	vst v9  }
0x84: {  	[tilespmem:$0x80] =	vst v10  }
0x85: {  	[tilespmem:$0x90] =	vst v11  }
0x86: {  	[tilespmem:$0xA0] =	vst v12  }
0x87: {  	[tilespmem:$0xB0] =	vst v13  }
0x88: {  	[tilespmem:$0xC0] =	vst v14  }
0x89: {  	[tilespmem:$0xD0] =	vst v15  }
0x8a: {  	[tilespmem:$0xE0] =	vst v16  }
0x8b: {  	[tilespmem:$0xF0] =	vst v17  }
0x8c: {  	[tilespmem:$0x100] =	vst v18  }
0x8d: {  	[tilespmem:$0x110] =	vst v19  }
0x8e: {  	[tilespmem:$0x120] =	vst v20  }
0x8f: {  	[tilespmem:$0x130] =	vst v21  }
0x90: {  	[tilespmem:$0x140] =	vst v22  }
0x91: {  	[tilespmem:$0x150] =	vst v23  }
0x92: {  	[tilespmem:$0x160] =	vst v24  }
0x93: {  	[tilespmem:$0x170] =	vst v25  }
0x94: {  	[tilespmem:$0x180] =	vst v26  }
0x95: {  	[tilespmem:$0x190] =	vst v27  }
0x96: {  	[tilespmem:$0x1A0] =	vst v28  }
0x97: {  	[tilespmem:$0x1B0] =	vst v29  }
0x98: {  	[tilespmem:$0x1C0] =	vst v30  }
0x99: {  	[tilespmem:$0x1D0] =	vst v31  }
0x9a: {  	[tilespmem:$0x1E0] =	vst v32  }
0x9b: {  	[tilespmem:$0x1F0] =	vst v33  }
0x9c: {  	[tilespmem:s9], [sflag:$0x1] =	stream.indirect.gather [hbm4b:s1+s11], $0x80, s6, s11, $0xb8;
	[tilespmem:$0x10900] =	vst v63  }
0x9d: {  	_ = 	snop  }
0x9e: {  	[tilespmem:s10], [sflag:$0x1] =	stream.indirect.gather [hbm4b:s1+s11], $0x80, s11, s11, $0xb8;
	[tilespmem:$0x10900] =	vst v63  }
0x9f: {  	_ = 	snop  }
0xa0: {  	[tilespmem:s12], [sflag:$0x1] =	stream.indirect.gather [hbm4b:s1+s11], $0x80, s14, s11, $0xb8;
	[tilespmem:$0x10900] =	vst v63  }
0xa1: {  	_ = 	snop  }
0xa2: {  	[tilespmem:s15], [sflag:$0x1] =	stream.indirect.gather [hbm4b:s1+s11], $0x80, s13, s11, $0xb8;
	[tilespmem:$0x10900] =	vst v63  }
0xa3: {  	_ = 	snop  }
0xa4: {  	[tilespmem:s16], [sflag:$0x2] =	stream.linear.gather [hbm4b:s2+s6], $0x400, $0x38;
	[tilespmem:$0x10900] =	vst v63  }
0xa5: {  	_ =	swait.ge [sflag:s17], $0x400  }
0xa6: {  	[sflag:s17] =	ssyncset.done $0x0  }
0xa7: {  	[sflag:s17] =	ssyncadd.s32 $0xFFFFFC00  }
0xa8: {  	[tilespmem:s18], [sflag:$0x2] =	stream.linear.gather [hbm4b:s4+s6], $0x80, $0x38;
	[tilespmem:$0x10900] =	vst v63  }
0xa9: {  	_ =	swait.ge [sflag:s17], $0x80  }
0xaa: {  	[sflag:s17] =	ssyncset.done $0x0  }
0xab: {  	[sflag:s17] =	ssyncadd.s32 $0xFFFFFF80  }
0xac: {  	[tilespmem:s19], [sflag:$0x2] =	stream.linear.gather [hbm4b:s3+s6], $0x80, $0x38;
	[tilespmem:$0x10900] =	vst v63  }
0xad: {  	_ =	swait.ge [sflag:s17], $0x80  }
0xae: {  	[sflag:s17] =	ssyncset.done $0x0  }
0xaf: {  	[sflag:s17] =	ssyncadd.s32 $0xFFFFFF80  }
0xb0: {  	v40 =	vld [tilespmem:$0x10600]  }
0xb1: {  	v41 =	vld [tilespmem:$0x10610];
	_ =	sdelay $0x3  }
0xb2: {  	v40 =	vnsel vm1, $0x0, v40  }
0xb3: {  	v57 =	vnsel vm0, $0x0, v41;
	(xrf0) =	vadd.scan.msk.s32 $0xffff, v40  }
0xb4: {  	(xrf0) =	vadd.scan.msk.s32 $0xffff, v57;
	_ =	sdelay $0x4  }
0xb5: {  	v58, _, _ =	vpop (xrf0)  }
0xb6: {  	(v2sf) =	vpush v58, $0xF;
	v59, _, _ =	vpop (xrf0)  }
0xb7: {  	(v2sf) =	vpush v59, $0xF;
	_ =	sdelay $0xd  }
0xb8: {  	s26 =	spop (v2sf)  }
0xb9: {  	s28 =	spop (v2sf)  }
0xba: {  	s26 =	sadd.s32 s26, s28  }
0xbb: {  	v60 =	vadd.s32 s26, v0  }
0xbc: {  	vm3 =	vgt.s32 v60, $0x0  }
0xbd: {  	v61 =	vnsel vm3, $0x0, v60  }
0xbe: {  	v41 =	vmin.u32 v61, $0x3FF  }
0xbf: {  	v44 =	vld.idx.msk [tilespmem:v1+s19+$0x0], $0xffff  }
0xc0: {  	v40 =	vld.idx.msk [tilespmem:v1+s18+$0x0], $0xffff;
	[tilespmem:$0x10800] =	vst v36  }
0xc1: {  	[tilespmem:$0x10810] =	vst v35  }
0xc2: {  	[tilespmem:$0x10820] =	vst v35;
	v42 =	vadd.s32 s26, v34  }
0xc3: {  	vm3 =	vgt.s32 v42, $0x0;
	v41 =	vld.idx.msk [tilespmem:v41+s16+$0x0], $0xffff  }
0xc4: {  	v42 =	vnsel vm3, $0x0, v42  }
0xc5: {  	v43 =	vmin.u32 v42, $0x3FF;
	_ =	sdelay $0x1  }
0xc6: {  	vm3 =	vgt.s32 v40, v0  }
0xc7: {  	v42 =	vnsel vm3, $0x0, v41  }
0xc8: {  	[tilespmem:v37+s20+$0x0] =	vst.idx.msk $0xffff, v42  }
0xc9: {  	v62 =	vld.idx.msk [tilespmem:v43+s16+$0x0], $0xffff;
	_ =	sdelay $0x3  }
0xca: {  	vm3 =	vgt.s32 v40, v34  }
0xcb: {  	v41 =	vnsel vm3, $0x0, v62  }
0xcc: {  	v43 =	vimm.f32 $-1.000000020e+30;
	[tilespmem:v38+s20+$0x0] =	vst.idx.msk $0xffff, v41  }
0xcd: {  	[tilespmem:$0x10700] =	vst v43  }
0xce: {  	[tilespmem:$0x10710] =	vst v43  }
0xcf: {  	[tilespmem:$0x10720] =	vst v43  }
0xd0: {  	v45 =	vld [tilespmem:$0x10800];
	[tilespmem:$0x10730] =	vst v43  }
0xd1: {  	v44 =	vxor.u32 $0x80000000, v44;
	v46 =	vld [tilespmem:$0x10810];
	_ =	swait.ge [sflag:s21], $0x4000  }
0xd2: {  	(xrf0) =	vmax.scan.msk.u32 $0xffff, v44;
	_ =	sdelay $0x5  }
0xd3: {  	v44, _, _ =	vpop (xrf0)  }
0xd4: {  	(v2sf) =	vpush v44, $0xF;
	_ =	sdelay $0xe  }
0xd5: {  	s26 =	spop (v2sf)  }
0xd6: {  	[sflag:s21] =	ssyncset.done $0x0;
	s28 =	sadd.s32 $0x7FFFFFFF, s26  }
0xd7: {  	[sflag:s21] =	ssyncadd.s32 $0xFFFFC000;
	s29 =	sand.u32 $0x1, s28  }
0xd8: {  	v63 =	vld.msk [tilespmem:s9+$0x0], $0xffff;
	p0 =	slt.s32 s28, $0x1;
	p1 =	seq.s32 s29, $0x1  }
0xd9: {  	v47 =	vld.idx.msk [tilespmem:v42+s9+$0x0], $0xffff;
	_ =	swait.ge [sflag:s21], $0x4000;
	s31 =	sshrl.u32 s28, $0x1F;
	p0 =	por !p0, !p1  }
0xda: {  	s28 =	sadd.s32 s31, s28;
	s29 =	simm.s32 $0x1;
	p0 =	por !p0, !p0  }
0xdb: {  	[sflag:s21] =	ssyncset.done $0x0;
	s28 =	sshra.s32 s28, $0x1;
	s29 =	simm.s32 @!p0 $0x0  }
0xdc: {  	[sflag:s21] =	ssyncadd.s32 $0xFFFFC000;
	s28 =	ssub.s32 s28, s29  }
0xdd: {  	_ =	swait.ge [sflag:s21], $0x4000;
	p0 =	slt.s32 s28, $0x1  }
.Ltmp2:
0xde: {  	[sflag:s21] =	ssyncset.done $0x0;
	(pc) =	sbr.rel @p0 .LBB2_2-.Ltmp2, $4  }
0xdf: {  	vm4 =	vne.s32 v42, $0x0;
	vm3 =	vne.s32 v42, v45;
	[sflag:s21] =	ssyncadd.s32 $0xFFFFC000  }
0xe0: {  	vm4 =	vmand vm4, vm3;
	vm3 =	vgt.s32 v40, $0x0;
	_ =	swait.ge [sflag:s21], $0x4000  }
0xe1: {  	vm5 =	vne.s32 v41, $0x0;
	vm6 =	vne.s32 v41, v46;
	vm7 =	vmand vm3, vm2;
	[sflag:s21] =	ssyncset.done $0x0  }
0xe2: {  	vm5 =	vmand vm5, vm6;
	v44 =	vnsel vm2, $0xF149F2CA, v63;
	v45 =	vnsel vm7, $0xF149F2CA, v47;
	[sflag:s21] =	ssyncadd.s32 $0xFFFFC000  }
0xe3: {  	(xrf1) =	vsort.ascd.msk.u32 $0xffff, v39, v45;
	_ =	sdelay $0x6  }
0xe4: {  	(xrf1) =	vsort.ascd.msk.u32 $0xffff, v39, v43;
	_ =	sdelay $0x6  }
0xe5: {  	vm6 =	veq.s32 v0, $0x0;
	_, v46, _ =	vpop (xrf1)  }
0xe6: {  	v47 =	vsel vm6, $0xF149F2CA, v46  }
0xe7: {  	v49 =	vmax.f32 v45, v44;
	v48 =	vnsel vm4, $0xF149F2CA, v47  }
0xe8: {  	v49 =	vmax.f32 v49, v48  }
0xe9: {  	v60 =	vsub.f32 v45, v49  }
0xea: {  	v50 =	vmax.f32 v44, v47;
	v47 =	vmin.f32 v44, v47;
	v61 =	vsub.f32 v44, v49  }
0xeb: {  	v47 =	vsub.f32 v47, v50;
	v45 =	vmul.f32 $1.442695020e+00, v60  }
0xec: {  	v62 =	vmax.f32 v43, v43;
	_, v51, _ =	vpop (xrf1);
	v48 =	vsub.f32 v48, v49;
	v44 =	vmul.f32 $1.442695020e+00, v61  }
0xed: {  	v46 =	vsel vm2, v46, v51;
	v47 =	vmul.f32 $1.442695020e+00, v47;
	(erf) = vpow2.f32 v45  }
0xee: {  	v52 =	vnsel vm5, $0xF149F2CA, v46;
	v48 =	vmul.f32 $1.442695020e+00, v48;
	(erf) = vpow2.f32 v44  }
0xef: {  	v44 =	vmax.f32 v62, v52;
	(erf) = vpow2.f32 v47  }
0xf0: {  	v45 =	vsub.f32 v43, v44;
	(erf) = vpow2.f32 v48  }
0xf1: {  	v47 =	vmax.f32 v43, v46;
	v46 =	vmin.f32 v43, v46;
	v63 =	vsub.f32 v43, v44  }
0xf2: {  	v46 =	vsub.f32 v46, v47;
	v45 =	vmul.f32 $1.442695020e+00, v45  }
0xf3: {  	v52 =	vsub.f32 v52, v44;
	v48 =	vmul.f32 $1.442695020e+00, v63  }
0xf4: {  	v46 =	vmul.f32 $1.442695020e+00, v46;
	(erf) = vpow2.f32 v45  }
0xf5: {  	v53 =	vmul.f32 $1.442695020e+00, v52;
	(erf) = vpow2.f32 v48  }
0xf6: {  	(erf) = vpow2.f32 v46;
	v54 =	vpop (erf)  }
0xf7: {  	v55 =	vpop (erf);
	(erf) = vpow2.f32 v53  }
0xf8: {  	v56 =	vadd.f32 v55, v54;
	v46 =	vpop (erf)  }
0xf9: {  	v57 =	vpop (erf)  }
0xfa: {  	v45 =	vadd.f32 v56, v57;
	_ =	sdelay $0x1  }
0xfb: {  	v48 =	vmul.f32 $1.963217000e-02, v45  }
0xfc: {  	v58 =	vpop (erf)  }
0xfd: {  	v53 =	vpop (erf);
	v48 =	vsub.f32 $2.082450390e-01, v48  }
0xfe: {  	v52 =	vadd.f32 v53, v58;
	v53 =	vpop (erf)  }
0xff: {  	v48 =	vmul.f32 v48, v45;
	v54 =	vpop (erf)  }
0x100: {  	v52 =	vadd.f32 v52, v54  }
0x101: {  	v51 =	vnsel vm2, $0xF149F2CA, v51;
	v48 =	vadd.f32 $-9.022461770e-01, v48  }
0x102: {  	s29 =	sshll.u32 s21, $0x7;
	v59 =	vmin.f32 v43, v51;
	v55 =	vmul.f32 $1.963217000e-02, v52  }
0x103: {  	v60 =	vadd.s32 s29, v42;
	v54 =	vmax.f32 v43, v51;
	v48 =	vmul.f32 v48, v45  }
0x104: {  	v43 =	vsub.f32 v59, v54;
	v55 =	vsub.f32 $2.082450390e-01, v55  }
0x105: {  	v48 =	vadd.f32 $2.235779760e+00, v48  }
0x106: {  	v43 =	vmul.f32 $1.442695020e+00, v43;
	v55 =	vmul.f32 v55, v52  }
0x107: {  	v45 =	vmul.f32 v48, v45  }
0x108: {  	v61 =	vld.idx.msk [tilespmem:v60+s9+$0x0], $0xffff;
	(erf) = vpow2.f32 v43;
	v62 =	vadd.f32 $-9.022461770e-01, v55  }
0x109: {  	v63 =	vmul.f32 $5.437093230e-02, v46;
	v45 =	vadd.f32 $-1.521273020e+00, v45  }
0x10a: {  	v57 =	vadd.s32 s29, v41;
	v48 =	vmul.f32 v62, v52  }
0x10b: {  	v51 =	vsub.f32 $2.164487090e-01, v63;
	v45 =	vadd.f32 v45, v49  }
0x10c: {  	v48 =	vadd.f32 $2.235779760e+00, v48  }
0x10d: {  	v58 =	vmul.f32 v51, v46;
	v45 =	vadd.f32 v61, v45  }
0x10e: {  	v59 =	vmul.f32 v48, v52  }
0x10f: {  	v60 =	vadd.f32 $-4.650204480e-01, v58;
	v62 =	vld.idx.msk [tilespmem:v57+s9+$0x0], $0xffff;
	(xrf1) =	vsort.ascd.msk.u32 $0xffff, v39, v45  }
0x110: {  	v61 =	vmul.f32 $5.437093230e-02, v53;
	v43 =	vadd.f32 $-1.521273020e+00, v59  }
0x111: {  	v56 =	vmov s29;
	v48 =	vmul.f32 v60, v46;
	v52 =	vpop (erf)  }
0x112: {  	v49 =	vsub.f32 $2.164487090e-01, v61;
	v63 =	vmul.f32 $5.437093230e-02, v52;
	v43 =	vadd.f32 v43, v44  }
0x113: {  	v57 =	vadd.f32 $9.959657780e-01, v48  }
0x114: {  	v58 =	vmul.f32 v49, v53;
	v59 =	vsub.f32 $2.164487090e-01, v63;
	v51 =	vadd.f32 v62, v43  }
0x115: {  	v44 =	vmul.f32 v57, v46  }
0x116: {  	v48 =	vld.idx.msk [tilespmem:v56+s9+$0x0], $0xffff;
	v60 =	vadd.f32 $-4.650204480e-01, v58;
	v61 =	vmul.f32 v59, v52;
	(xrf1) =	vsort.ascd.msk.u32 $0xffff, v39, v51  }
0x117: {  	v44 =	vadd.f32 $7.942077350e-05, v44  }
0x118: {  	v43 =	vmul.f32 v60, v53;
	v46 =	vadd.f32 $-4.650204480e-01, v61  }
0x119: {  	v44 =	vadd.f32 v44, v50  }
0x11a: {  	v43 =	vadd.f32 $9.959657780e-01, v43;
	v46 =	vmul.f32 v46, v52  }
0x11b: {  	v44 =	vadd.f32 v48, v44  }
0x11c: {  	v43 =	vmul.f32 v43, v53;
	v46 =	vadd.f32 $9.959657780e-01, v46  }
0x11d: {  	v57 =	vmax.f32 v45, v44;
	_, v62, _ =	vpop (xrf1)  }
0x11e: {  	v43 =	vadd.f32 $7.942077350e-05, v43;
	v46 =	vmul.f32 v46, v52;
	v63 =	vsel vm6, $0xF149F2CA, v62  }
0x11f: {  	v53 =	vmax.f32 v44, v63;
	v58 =	vmin.f32 v44, v63;
	v50 =	vnsel vm4, $0xF149F2CA, v63  }
0x120: {  	v47 =	vadd.f32 v43, v47;
	v55 =	vsub.f32 v58, v53;
	v43 =	vmax.f32 v57, v50  }
0x121: {  	v46 =	vadd.f32 $7.942077350e-05, v46;
	v45 =	vsub.f32 v45, v43  }
0x122: {  	v44 =	vsub.f32 v44, v43;
	v59 =	vmul.f32 $1.442695020e+00, v55  }
0x123: {  	v46 =	vadd.f32 v46, v54;
	v47 =	vadd.f32 v48, v47;
	v45 =	vmul.f32 $1.442695020e+00, v45  }
0x124: {  	v50 =	vsub.f32 v50, v43;
	v44 =	vmul.f32 $1.442695020e+00, v44;
	_, v60, _ =	vpop (xrf1);
	(erf) = vpow2.f32 v59  }
0x125: {  	v61 =	vmax.f32 v51, v47;
	v49 =	vsel vm2, v62, v60;
	(erf) = vpow2.f32 v45  }
0x126: {  	v50 =	vmul.f32 $1.442695020e+00, v50;
	v62 =	vnsel vm5, $0xF149F2CA, v49;
	(erf) = vpow2.f32 v44  }
0x127: {  	v63 =	vadd.f32 v48, v46;
	v45 =	vmax.f32 v61, v62  }
0x128: {  	v57 =	vnsel vm2, $0xF149F2CA, v60;
	(erf) = vpow2.f32 v50;
	v56 =	vsub.f32 v51, v45  }
0x129: {  	v46 =	vmax.f32 v47, v49;
	v49 =	vmin.f32 v47, v49;
	v47 =	vsub.f32 v47, v45  }
0x12a: {  	v58 =	vmin.f32 v63, v57;
	v49 =	vsub.f32 v49, v46;
	v59 =	vmul.f32 $1.442695020e+00, v56  }
0x12b: {  	v48 =	vmax.f32 v63, v57;
	v60 =	vsub.f32 v62, v45;
	v61 =	vmul.f32 $1.442695020e+00, v47  }
0x12c: {  	v62 =	vsub.f32 v58, v48;
	v49 =	vmul.f32 $1.442695020e+00, v49;
	(erf) = vpow2.f32 v59  }
0x12d: {  	v63 =	vmul.f32 $1.442695020e+00, v60;
	v54 =	vpop (erf);
	(erf) = vpow2.f32 v61  }
0x12e: {  	v55 =	vmul.f32 $1.442695020e+00, v62;
	(erf) = vpow2.f32 v49;
	v56 =	vpop (erf)  }
0x12f: {  	v57 =	vmul.f32 $5.437093230e-02, v54;
	v58 =	vpop (erf);
	(erf) = vpow2.f32 v63  }
0x130: {  	v47 =	vadd.f32 v58, v56;
	(erf) = vpow2.f32 v55  }
0x131: {  	v59 =	vsub.f32 $2.164487090e-01, v57;
	v60 =	vpop (erf)  }
0x132: {  	v47 =	vadd.f32 v47, v60  }
0x133: {  	v44 =	vmul.f32 v59, v54  }
0x134: {  	v49 =	vmul.f32 $1.963217000e-02, v47  }
0x135: {  	s29 =	sadd.s32 $0x80, s29;
	v44 =	vadd.f32 $-4.650204480e-01, v44;
	v61 =	vpop (erf)  }
0x136: {  	v63 =	vmov s29;
	v49 =	vsub.f32 $2.082450390e-01, v49;
	v62 =	vpop (erf)  }
0x137: {  	v44 =	vmul.f32 v44, v54;
	v50 =	vpop (erf);
	v51 =	vadd.f32 v62, v61  }
0x138: {  	v49 =	vmul.f32 v49, v47;
	v60 =	vpop (erf)  }
0x139: {  	v44 =	vadd.f32 $9.959657780e-01, v44;
	v57 =	vmul.f32 $5.437093230e-02, v50;
	v52 =	vpop (erf);
	v51 =	vadd.f32 v51, v60  }
0x13a: {  	v61 =	vmul.f32 $5.437093230e-02, v52;
	v58 =	vadd.f32 $-9.022461770e-01, v49  }
0x13b: {  	v44 =	vmul.f32 v44, v54;
	v62 =	vsub.f32 $2.164487090e-01, v57;
	v49 =	vld.idx.msk [tilespmem:v63+s9+$0x0], $0xffff;
	v63 =	vmul.f32 $1.963217000e-02, v51  }
0x13c: {  	v56 =	vsub.f32 $2.164487090e-01, v61;
	v60 =	vmul.f32 v58, v47;
	v61 =	vadd.s32 s29, v42  }
0x13d: {  	p0 =	sne.s32 s28, $0x1;
	v54 =	vmul.f32 v62, v50;
	v55 =	vsub.f32 $2.082450390e-01, v63  }
.Ltmp3:
0x13e: {  	v44 =	vadd.f32 $7.942077350e-05, v44;
	v56 =	vmul.f32 v56, v52;
	v57 =	vadd.f32 $2.235779760e+00, v60;
	(pc) =	sbr.rel @!p0 .LBB2_5-.Ltmp3, $4  }
0x13f: {  	v62 =	vadd.f32 $-4.650204480e-01, v54;
	v63 =	vmul.f32 v55, v51  }
0x140: {  	v44 =	vadd.f32 v44, v53;
	v56 =	vadd.f32 $-4.650204480e-01, v56;
	v59 =	vmul.f32 v57, v47  }
0x141: {  	v47 =	vadd.s32 s29, v41;
	v55 =	vmul.f32 v62, v50;
	v53 =	vld.idx.msk [tilespmem:v61+s9+$0x0], $0xffff;
	v57 =	vadd.f32 $-9.022461770e-01, v63  }
0x142: {  	s30 =	simm.s32 $0x1;
	v44 =	vadd.f32 v44, v49;
	s29 =	sadd.s32 $0xFFFFFFFF, s28;
	v56 =	vmul.f32 v56, v52;
	v54 =	vadd.f32 $-1.521273020e+00, v59  }
.LBB2_4:
0x143: {  	p0 =	sne.s32 s29, $0x1;
	s29 =	sadd.s32 $0xFFFFFFFF, s29;
	v55 =	vadd.f32 $9.959657780e-01, v55;
	v57 =	vmul.f32 v57, v51;
	s30 =	sadd.s32 $0x2, s30  }
0x144: {  	v56 =	vadd.f32 $9.959657780e-01, v56;
	v43 =	vadd.f32 v54, v43  }
0x145: {  	v50 =	vmul.f32 v55, v50;
	v54 =	vadd.f32 $2.235779760e+00, v57  }
0x146: {  	v52 =	vmul.f32 v56, v52;
	v53 =	vadd.f32 v43, v53  }
0x147: {  	v43 =	vadd.f32 $7.942077350e-05, v50;
	v47 =	vld.idx.msk [tilespmem:v47+s9+$0x0], $0xffff;
	v50 =	vmul.f32 v54, v51  }
0x148: {  	(xrf1) =	vsort.ascd.msk.u32 $0xffff, v39, v53;
	v51 =	vadd.f32 $7.942077350e-05, v52  }
0x149: {  	v43 =	vadd.f32 v43, v46;
	v46 =	vadd.f32 $-1.521273020e+00, v50  }
0x14a: {  	v48 =	vadd.f32 v51, v48  }
0x14b: {  	v50 =	vadd.f32 v43, v49;
	v43 =	vadd.f32 v46, v45  }
0x14c: {  	v45 =	vadd.f32 v48, v49  }
0x14d: {  	v46 =	vadd.f32 v43, v47;
	_ =	sdelay $0x1  }
0x14e: {  	(xrf1) =	vsort.ascd.msk.u32 $0xffff, v39, v46;
	_ =	sdelay $0x6  }
0x14f: {  	_, v47, _ =	vpop (xrf1)  }
0x150: {  	v43 =	vsel vm6, $0xF149F2CA, v47  }
0x151: {  	v51 =	vmax.f32 v53, v44;
	v48 =	vmax.f32 v44, v43;
	v49 =	vnsel vm4, $0xF149F2CA, v43  }
0x152: {  	v52 =	vmin.f32 v44, v43;
	v43 =	vmax.f32 v51, v49  }
0x153: {  	v51 =	vsub.f32 v53, v43;
	v44 =	vsub.f32 v44, v43  }
0x154: {  	v52 =	vsub.f32 v52, v48;
	v49 =	vsub.f32 v49, v43  }
0x155: {  	v51 =	vmul.f32 $1.442695020e+00, v51;
	v44 =	vmul.f32 $1.442695020e+00, v44  }
0x156: {  	v52 =	vmul.f32 $1.442695020e+00, v52;
	v49 =	vmul.f32 $1.442695020e+00, v49;
	_, v53, _ =	vpop (xrf1)  }
0x157: {  	v54 =	vmax.f32 v46, v50;
	v47 =	vsel vm2, v47, v53;
	(erf) = vpow2.f32 v51  }
0x158: {  	v51 =	vmax.f32 v50, v47;
	v55 =	vnsel vm5, $0xF149F2CA, v47;
	(erf) = vpow2.f32 v44  }
0x159: {  	v44 =	vmin.f32 v50, v47;
	v54 =	vmax.f32 v54, v55;
	(erf) = vpow2.f32 v52  }
0x15a: {  	v46 =	vsub.f32 v46, v54;
	v47 =	vsub.f32 v55, v54;
	(erf) = vpow2.f32 v49  }
0x15b: {  	v44 =	vsub.f32 v44, v51;
	v49 =	vnsel vm2, $0xF149F2CA, v53;
	v50 =	vsub.f32 v50, v54  }
0x15c: {  	v52 =	vmax.f32 v45, v49;
	v46 =	vmul.f32 $1.442695020e+00, v46;
	v47 =	vmul.f32 $1.442695020e+00, v47  }
0x15d: {  	v53 =	vmul.f32 $1.442695020e+00, v44;
	v45 =	vmin.f32 v45, v49;
	v49 =	vmul.f32 $1.442695020e+00, v50  }
0x15e: {  	v45 =	vsub.f32 v45, v52;
	(erf) = vpow2.f32 v46  }
0x15f: {  	(erf) = vpow2.f32 v49  }
0x160: {  	v45 =	vmul.f32 $1.442695020e+00, v45;
	(erf) = vpow2.f32 v53;
	v44 =	vpop (erf)  }
0x161: {  	v46 =	vpop (erf);
	(erf) = vpow2.f32 v47  }
0x162: {  	v44 =	vadd.f32 v46, v44;
	v46 =	vpop (erf);
	(erf) = vpow2.f32 v45  }
0x163: {  	v45 =	vmul.f32 $5.437093230e-02, v46;
	v47 =	vpop (erf)  }
0x164: {  	v44 =	vadd.f32 v44, v47  }
0x165: {  	v45 =	vsub.f32 $2.164487090e-01, v45  }
0x166: {  	v47 =	vmul.f32 $1.963217000e-02, v44  }
0x167: {  	v45 =	vmul.f32 v45, v46;
	v49 =	vpop (erf)  }
0x168: {  	v47 =	vsub.f32 $2.082450390e-01, v47;
	v50 =	vpop (erf)  }
0x169: {  	v45 =	vadd.f32 $-4.650204480e-01, v45;
	v49 =	vadd.f32 v50, v49;
	v50 =	vpop (erf)  }
0x16a: {  	v53 =	vmul.f32 $5.437093230e-02, v50;
	v47 =	vmul.f32 v47, v44;
	v55 =	vpop (erf)  }
0x16b: {  	v45 =	vmul.f32 v45, v46;
	v55 =	vadd.f32 v49, v55;
	v56 =	vpop (erf)  }
0x16c: {  	s31 =	sshll.u32 s30, $0x7;
	v49 =	vsub.f32 $2.164487090e-01, v53;
	v53 =	vmul.f32 $5.437093230e-02, v56;
	v47 =	vadd.f32 $-9.022461770e-01, v47  }
0x16d: {  	v57 =	vadd.s32 s31, v42;
	s5 =	sadd.s32 $0x80, s31;
	v45 =	vadd.f32 $9.959657780e-01, v45;
	v58 =	vmul.f32 $1.963217000e-02, v55  }
0x16e: {  	v49 =	vmul.f32 v49, v50;
	v53 =	vsub.f32 $2.164487090e-01, v53;
	v47 =	vmul.f32 v47, v44  }
0x16f: {  	v45 =	vmul.f32 v45, v46;
	v46 =	vadd.s32 s31, v41;
	v58 =	vsub.f32 $2.082450390e-01, v58  }
0x170: {  	v49 =	vadd.f32 $-4.650204480e-01, v49;
	v53 =	vmul.f32 v53, v56;
	v47 =	vadd.f32 $2.235779760e+00, v47  }
0x171: {  	v59 =	vmov s31;
	v45 =	vadd.f32 $7.942077350e-05, v45;
	v58 =	vmul.f32 v58, v55  }
0x172: {  	v60 =	vmul.f32 v49, v50;
	v53 =	vadd.f32 $-4.650204480e-01, v53;
	v57 =	vld.idx.msk [tilespmem:v57+s9+$0x0], $0xffff;
	v44 =	vmul.f32 v47, v44  }
0x173: {  	v49 =	vmov s5;
	v45 =	vadd.f32 v45, v48;
	v47 =	vadd.f32 $-9.022461770e-01, v58  }
0x174: {  	v48 =	vadd.f32 $9.959657780e-01, v60;
	v53 =	vmul.f32 v53, v56;
	v58 =	vadd.f32 $-1.521273020e+00, v44  }
0x175: {  	v44 =	vadd.s32 s5, v42;
	v60 =	vmul.f32 v47, v55;
	v47 =	vadd.s32 s5, v41  }
0x176: {  	v48 =	vmul.f32 v48, v50;
	v50 =	vadd.f32 $9.959657780e-01, v53;
	v43 =	vadd.f32 v58, v43  }
0x177: {  	v53 =	vadd.f32 $2.235779760e+00, v60  }
0x178: {  	v48 =	vadd.f32 $7.942077350e-05, v48;
	v50 =	vmul.f32 v50, v56;
	v56 =	vadd.f32 v57, v43  }
0x179: {  	v43 =	vld.idx.msk [tilespmem:v46+s9+$0x0], $0xffff;
	v46 =	vmul.f32 v53, v55  }
0x17a: {  	v48 =	vadd.f32 v48, v51;
	v50 =	vadd.f32 $7.942077350e-05, v50;
	(xrf1) =	vsort.ascd.msk.u32 $0xffff, v39, v56  }
0x17b: {  	v46 =	vadd.f32 $-1.521273020e+00, v46  }
0x17c: {  	v50 =	vadd.f32 v50, v52  }
0x17d: {  	v46 =	vadd.f32 v46, v54;
	_ =	sdelay $0x1  }
0x17e: {  	v51 =	vadd.f32 v43, v46;
	_ =	sdelay $0x1  }
0x17f: {  	v46 =	vld.idx.msk [tilespmem:v59+s9+$0x0], $0xffff;
	(xrf1) =	vsort.ascd.msk.u32 $0xffff, v39, v51;
	_ =	sdelay $0x5  }
0x180: {  	v45 =	vadd.f32 v46, v45  }
0x181: {  	_, v52, _ =	vpop (xrf1)  }
0x182: {  	v53 =	vmax.f32 v56, v45;
	v43 =	vsel vm6, $0xF149F2CA, v52  }
0x183: {  	v54 =	vmax.f32 v45, v43;
	v55 =	vmin.f32 v45, v43;
	v57 =	vnsel vm4, $0xF149F2CA, v43  }
0x184: {  	v55 =	vsub.f32 v55, v54;
	v43 =	vmax.f32 v53, v57  }
0x185: {  	v53 =	vsub.f32 v56, v43;
	v45 =	vsub.f32 v45, v43  }
0x186: {  	v48 =	vadd.f32 v46, v48;
	v56 =	vsub.f32 v57, v43;
	v55 =	vmul.f32 $1.442695020e+00, v55  }
0x187: {  	v53 =	vmul.f32 $1.442695020e+00, v53;
	v45 =	vmul.f32 $1.442695020e+00, v45  }
0x188: {  	v50 =	vadd.f32 v46, v50;
	v57 =	vmax.f32 v51, v48;
	_, v58, _ =	vpop (xrf1);
	(erf) = vpow2.f32 v55  }
0x189: {  	v55 =	vmul.f32 $1.442695020e+00, v56;
	v52 =	vsel vm2, v52, v58;
	(erf) = vpow2.f32 v53  }
0x18a: {  	v46 =	vmax.f32 v48, v52;
	v53 =	vnsel vm5, $0xF149F2CA, v52;
	(erf) = vpow2.f32 v45  }
0x18b: {  	v56 =	vnsel vm2, $0xF149F2CA, v58;
	v45 =	vmax.f32 v57, v53;
	(erf) = vpow2.f32 v55  }
0x18c: {  	v52 =	vmin.f32 v48, v52;
	v51 =	vsub.f32 v51, v45;
	v55 =	vsub.f32 v48, v45  }
0x18d: {  	v52 =	vsub.f32 v52, v46;
	v57 =	vmin.f32 v50, v56;
	v53 =	vsub.f32 v53, v45  }
0x18e: {  	v48 =	vmax.f32 v50, v56;
	v50 =	vmul.f32 $1.442695020e+00, v51;
	v51 =	vmul.f32 $1.442695020e+00, v55  }
0x18f: {  	v56 =	vsub.f32 v57, v48;
	v53 =	vmul.f32 $1.442695020e+00, v53  }
0x190: {  	v57 =	vmul.f32 $1.442695020e+00, v52;
	(erf) = vpow2.f32 v50  }
0x191: {  	v58 =	vmul.f32 $1.442695020e+00, v56;
	v55 =	vpop (erf);
	(erf) = vpow2.f32 v51  }
0x192: {  	v51 =	vmul.f32 $5.437093230e-02, v55;
	(erf) = vpow2.f32 v57;
	v52 =	vpop (erf)  }
0x193: {  	v56 =	vpop (erf);
	(erf) = vpow2.f32 v53  }
0x194: {  	v51 =	vsub.f32 $2.164487090e-01, v51;
	v52 =	vadd.f32 v56, v52;
	(erf) = vpow2.f32 v58;
	v50 =	vpop (erf);
	_ =	sdelay $0x1  }
0x195: {  	v51 =	vmul.f32 v51, v55;
	v56 =	vadd.f32 v52, v50;
	_ =	sdelay $0x1  }
0x196: {  	v57 =	vadd.f32 $-4.650204480e-01, v51;
	v51 =	vmul.f32 $1.963217000e-02, v56  }
0x197: {  	v52 =	vpop (erf)  }
0x198: {  	v53 =	vmul.f32 v57, v55;
	v59 =	vsub.f32 $2.082450390e-01, v51;
	v50 =	vpop (erf)  }
0x199: {  	v60 =	vadd.f32 v50, v52;
	v50 =	vpop (erf)  }
0x19a: {  	v53 =	vadd.f32 $9.959657780e-01, v53;
	v57 =	vmul.f32 $5.437093230e-02, v50;
	v58 =	vmul.f32 v59, v56;
	v51 =	vpop (erf)  }
0x19b: {  	v51 =	vadd.f32 v60, v51;
	v52 =	vpop (erf)  }
0x19c: {  	v53 =	vmul.f32 v53, v55;
	v55 =	vmul.f32 $5.437093230e-02, v52;
	v58 =	vadd.f32 $-9.022461770e-01, v58  }
0x19d: {  	v57 =	vsub.f32 $2.164487090e-01, v57;
	v49 =	vld.idx.msk [tilespmem:v49+s9+$0x0], $0xffff;
	v59 =	vmul.f32 $1.963217000e-02, v51  }
0x19e: {  	v53 =	vadd.f32 $7.942077350e-05, v53;
	v55 =	vsub.f32 $2.164487090e-01, v55;
	v58 =	vmul.f32 v58, v56  }
0x19f: {  	v57 =	vmul.f32 v57, v50;
	v59 =	vsub.f32 $2.082450390e-01, v59  }
.Ltmp4:
0x1a0: {  	v55 =	vmul.f32 v55, v52;
	v58 =	vadd.f32 $2.235779760e+00, v58;
	(pc) =	sbr.rel @p0 .LBB2_4-.Ltmp4, $4  }
0x1a1: {  	v54 =	vadd.f32 v53, v54;
	v57 =	vadd.f32 $-4.650204480e-01, v57;
	v53 =	vld.idx.msk [tilespmem:v44+s9+$0x0], $0xffff;
	v59 =	vmul.f32 v59, v51  }
0x1a2: {  	v60 =	vadd.f32 $-4.650204480e-01, v55;
	v58 =	vmul.f32 v58, v56  }
0x1a3: {  	v44 =	vadd.f32 v54, v49;
	v55 =	vmul.f32 v57, v50;
	v57 =	vadd.f32 $-9.022461770e-01, v59  }
0x1a4: {  	v56 =	vmul.f32 v60, v52;
	v54 =	vadd.f32 $-1.521273020e+00, v58  }
.LBB2_5:
0x1a5: {  	v57 =	vmul.f32 v57, v51  }
0x1a6: {  	v55 =	vadd.f32 $9.959657780e-01, v55  }
0x1a7: {  	v56 =	vadd.f32 $9.959657780e-01, v56;
	v57 =	vadd.f32 $2.235779760e+00, v57  }
0x1a8: {  	v50 =	vmul.f32 v55, v50  }
0x1a9: {  	v52 =	vmul.f32 v56, v52;
	v60 =	vmul.f32 v57, v51  }
0x1aa: {  	v61 =	vld.idx.msk [tilespmem:v47+s9+$0x0], $0xffff;
	v50 =	vadd.f32 $7.942077350e-05, v50  }
.Ltmp5:
0x1ab: {  	v62 =	vadd.f32 $7.942077350e-05, v52;
	v51 =	vadd.f32 $-1.521273020e+00, v60;
	(pc) =	sbr.rel .LBB2_6-.Ltmp5, $4  }
0x1ac: {  	v43 =	vadd.f32 v54, v43;
	v46 =	vadd.f32 v50, v46  }
0x1ad: {  	v47 =	vadd.f32 v62, v48;
	v63 =	vadd.f32 v51, v45  }
0x1ae: {  	v45 =	vadd.f32 v43, v53;
	v43 =	vadd.f32 v46, v49  }
0x1af: {  	v47 =	vadd.f32 v47, v49;
	v46 =	vadd.f32 v63, v61  }
.LBB2_7:
0x1b0: {  	_ =	sfence.sel $0x180000  }
0x1b1: {  	[bflag:$0x0] =	sbarrier.arrive $0xFFFF  }
0x1b2: {  	_ =	strace $0x90000047  }
0x1b3: {  	[bflag:$0x2] =	sbarrier.arrive $0xFFFF  }
0x1b4: {  	p0 =	sne.s32 s0, $0x0;
	s0 =	rddreg [dreg:$0x5]  }
0x1b5: {  	s0 =	sadd.s32 @!p0 $0x100000, s0  }
0x1b6: {  	[sflag:s0] =	ssyncadd.tile.s32 @!p0 $0x1;
	_ =	shalt  }
.Lfunc_end2:
_tile_overlayer_lowered:
.L_overlay_start_2:
0x1b7: {  	(tag) =	ssettag $0x2  }
0x1b8: {  	s0 =	rddreg [dreg:$0x0];
	s2 =	stileid.u32  }
0x1b9: {  	s1 =	rddreg [dreg:$0x1];
	p0 =	sne.s32 s2, $0x0  }
0x1ba: {  	s3 =	rddreg [dreg:$0x2];
	[bflag:$0x3] =	sbarrier.arrive $0xFFFF;
	s2 =	simm.s32 @!p0 $0x1C02  }
0x1bb: {  	[timem:s3], [sflag:s2] =	dma.local @!p0 [hbm:s0], s1  }
0x1bc: {  	s0 =	simm.s32 @!p0 $0x2  }
0x1bd: {  	_ =	swait.ge @!p0 [sflag:s0], s1  }
0x1be: {  	s1 =	ssub.s32 @!p0 $0x0, s1;
	[sflag:s0] =	ssyncset.done @!p0 $0x0  }
0x1bf: {  	[sflag:s0] =	ssyncadd.s32 @!p0 s1  }
0x1c0: {  	[bflag:$0x3] =	sbarrier.arrive $0xFFFF  }
0x1c1: {  	_ =	shalt  }

</sc_bundles>
